<compile_context>
chip_gen: v7x
topology: tpu7x:2x2x1
jax: 0.10.2.dev20260603
libtpu: 0.0.44.dev20260713+nightly
codegen_flags: <defaults>
</compile_context>

<pallas_src>
import functools

import jax
import jax.numpy as jnp
from jax import lax
from jax.experimental import pallas as pl
from jax.experimental.pallas import tpu as pltpu
from jax.experimental.pallas import tpu_sc as plsc

H = 1024
W = 1024
D = 64
NCOL = 10
L = 16
NC, NS = 2, 16
NW = NC * NS
ROWS_PER_W = H // NW
CHUNK = 128
NCHUNK = W // CHUNK


def _table_body(cpad_ref, x_ref, t_ref):
    for c in range(NCOL + 1):
        t_ref[c] = x_ref[...] + cpad_ref[c, :][None, :]


def _build_table(cpad, x_vec):
    return pl.pallas_call(
        _table_body,
        out_shape=jax.ShapeDtypeStruct((NCOL + 1, W, D), jnp.float32),
    )(cpad, x_vec)


_mesh = plsc.VectorSubcoreMesh(
    core_axis_name="c", subcore_axis_name="s", num_cores=NC, num_subcores=NS
)


HALF = W // 2
KPB = NCHUNK // 2


@functools.partial(
    pl.kernel,
    out_type=jax.ShapeDtypeStruct((H * W, D), jnp.float32),
    mesh=_mesh,
    compiler_params=pltpu.CompilerParams(use_tc_tiling_on_sc=False),
    scratch_types=[
        pltpu.VMEM((2, W), jnp.int32),
        pltpu.VMEM((2, D), jnp.float32),
        pltpu.VMEM((NCHUNK, CHUNK), jnp.int32),
        pltpu.VMEM((HALF, D), jnp.float32),
        pltpu.VMEM((HALF, D), jnp.float32),
        pltpu.VMEM_SHARED(((NCOL + 1) * W, D), jnp.float32),
        pltpu.SemaphoreType.DMA,
        pltpu.SemaphoreType.DMA,
        pltpu.SemaphoreType.DMA,
        pltpu.SemaphoreType.DMA,
        pltpu.SemaphoreType.DMA,
    ],
)
def _sc_embed(table_hbm, grid_hbm, y_hbm, out_hbm,
              gbuf, ybuf, idxbuf, rows0, rows1, tbl,
              gsem0, gsem1, osem0, osem1, psem):
    wid = lax.axis_index("s") * NC + lax.axis_index("c")
    row0 = wid * ROWS_PER_W
    lanes = lax.iota(jnp.int32, L)

    @pl.when(lax.axis_index("s") == 0)
    def _stage_table():
        pltpu.sync_copy(table_hbm, tbl)

    plsc.subcore_barrier()

    pltpu.sync_copy(grid_hbm.at[row0], gbuf.at[0])
    pltpu.sync_copy(y_hbm.at[row0], ybuf.at[0])

    def do_row(r, carry):
        i = row0 + r
        pp = lax.rem(r, 2)
        np_ = lax.rem(r + 1, 2)

        @pl.when(r < ROWS_PER_W - 1)
        def _prefetch():
            pltpu.async_copy(grid_hbm.at[i + 1], gbuf.at[np_], psem)
            pltpu.async_copy(y_hbm.at[i + 1], ybuf.at[np_], psem)

        @plsc.parallel_loop(0, W // L, unroll=4)
        def mk_idx(t):
            g = gbuf[pp, pl.ds(t * L, L)]
            gc = jnp.clip(g, -1, NCOL - 1)
            idx = (gc + 1) * W + (t * L + lanes)
            idxbuf[t // (CHUNK // L), pl.ds((t % (CHUNK // L)) * L, L)] = idx

        @pl.when(r > 0)
        def _drain_prev_scatters():
            base_prev = (i - 1) * W
            pltpu.make_async_copy(
                rows0, out_hbm.at[pl.ds(base_prev, HALF)], osem0).wait()
            pltpu.make_async_copy(
                rows1, out_hbm.at[pl.ds(base_prev + HALF, HALF)], osem1).wait()

        for k in range(KPB):
            pltpu.async_copy(
                tbl.at[idxbuf.at[k]],
                rows0.at[pl.ds(k * CHUNK, CHUNK)], gsem0)
        for k in range(KPB):
            pltpu.async_copy(
                tbl.at[idxbuf.at[KPB + k]],
                rows1.at[pl.ds(k * CHUNK, CHUNK)], gsem1)

        y0 = ybuf[pp, pl.ds(0, L)]
        y1 = ybuf[pp, pl.ds(L, L)]
        y2 = ybuf[pp, pl.ds(2 * L, L)]
        y3 = ybuf[pp, pl.ds(3 * L, L)]

        for k in range(KPB):
            pltpu.make_async_copy(
                tbl.at[idxbuf.at[k]],
                rows0.at[pl.ds(k * CHUNK, CHUNK)], gsem0).wait()

        @plsc.parallel_loop(0, HALF, unroll=8)
        def add_y0(p):
            plsc.addupdate(rows0.at[p, pl.ds(0, L)], y0)
            plsc.addupdate(rows0.at[p, pl.ds(L, L)], y1)
            plsc.addupdate(rows0.at[p, pl.ds(2 * L, L)], y2)
            plsc.addupdate(rows0.at[p, pl.ds(3 * L, L)], y3)
        pltpu.async_copy(rows0, out_hbm.at[pl.ds(i * W, HALF)], osem0)

        for k in range(KPB):
            pltpu.make_async_copy(
                tbl.at[idxbuf.at[KPB + k]],
                rows1.at[pl.ds(k * CHUNK, CHUNK)], gsem1).wait()

        @plsc.parallel_loop(0, HALF, unroll=8)
        def add_y1(p):
            plsc.addupdate(rows1.at[p, pl.ds(0, L)], y0)
            plsc.addupdate(rows1.at[p, pl.ds(L, L)], y1)
            plsc.addupdate(rows1.at[p, pl.ds(2 * L, L)], y2)
            plsc.addupdate(rows1.at[p, pl.ds(3 * L, L)], y3)
        pltpu.async_copy(rows1, out_hbm.at[pl.ds(i * W + HALF, HALF)], osem1)

        @pl.when(r < ROWS_PER_W - 1)
        def _drain_prefetch():
            pltpu.make_async_copy(grid_hbm.at[i + 1], gbuf.at[np_], psem).wait()
            pltpu.make_async_copy(y_hbm.at[i + 1], ybuf.at[np_], psem).wait()

        return carry

    lax.fori_loop(0, ROWS_PER_W, do_row, 0)

    base_last = (row0 + ROWS_PER_W - 1) * W
    pltpu.make_async_copy(
        rows0, out_hbm.at[pl.ds(base_last, HALF)], osem0).wait()
    pltpu.make_async_copy(
        rows1, out_hbm.at[pl.ds(base_last + HALF, HALF)], osem1).wait()


def kernel(grid, colour_emb, x_emb, y_emb):
    cpad = jnp.concatenate(
        [jnp.zeros((1, D), jnp.float32), colour_emb.astype(jnp.float32)], axis=0
    )
    table = _build_table(cpad, x_emb[:W].astype(jnp.float32))
    table_flat = table.reshape((NCOL + 1) * W, D)
    out = _sc_embed(table_flat, grid, y_emb[:H].astype(jnp.float32))
    return out.reshape(H, W, D)

# --- scband reference (transcript-rebuilt; emitter-appended) ---
"""Pipeline reference for scband-pixel-embedder-71562745086052 (READ-ONLY COPY).

The authoritative reference and input builder live on the scoring server;
editing this copy changes nothing except your own understanding.
"""

import jax, jax.numpy as jnp
import numpy as np

_PAD_VAL = -1
NUM_COLOURS = 10
EMB_DIM = 64
MAX_GRID = 1024
H, W = 1024, 1024


def setup_inputs(seed: int = 0) -> dict:
    key = jax.random.key(seed)
    k1, k2, k3, k4 = jax.random.split(key, 4)
    grid = jax.random.randint(k1, (H, W), 0, NUM_COLOURS, dtype=jnp.int64 if jax.config.jax_enable_x64 else jnp.int32).astype(jnp.int32)
    colour_emb = jax.random.normal(k2, (NUM_COLOURS, EMB_DIM), dtype=jnp.float32)
    x_emb = jax.random.normal(k3, (MAX_GRID, EMB_DIM), dtype=jnp.float32)
    y_emb = jax.random.normal(k4, (MAX_GRID, EMB_DIM), dtype=jnp.float32)
    return {"grid": grid, "colour_emb": colour_emb, "x_emb": x_emb, "y_emb": y_emb}


def reference(grid, colour_emb, x_emb, y_emb):
    h, w = grid.shape
    # colour lookup with pad handling
    colour_idx = jnp.clip(grid, 0, None)
    colour_vec = jnp.take(colour_emb, colour_idx, axis=0)  # (H, W, D)
    pad_mask = (grid == _PAD_VAL)
    colour_vec = jnp.where(pad_mask[..., None], 0.0, colour_vec)
    # positional embeddings: x over width, y over height
    x_vec = x_emb[:w]  # (W, D)
    y_vec = y_emb[:h]  # (H, D)
    pos = x_vec[None, :, :] + y_vec[:, None, :]  # (H, W, D)
    return colour_vec + pos

if __name__ == "__main__":
    import jax
    _d = setup_inputs()
    print(jax.jit(kernel)(*tuple(_d.values())))

</pallas_src>

<mosaic_0001>
#map = affine_map<(d0, d1) -> (0, 0)>
module attributes {stable_mosaic.version = 14 : i64} {
  func.func @_sc_embed(%arg0: i32, %arg1: i32, %arg2: memref<11264x64xf32, #tpu.memory_space<hbm>>, %arg3: memref<1024x1024xi32, #tpu.memory_space<hbm>>, %arg4: memref<1024x64xf32, #tpu.memory_space<hbm>>, %arg5: memref<1048576x64xf32, #tpu.memory_space<hbm>>, %arg6: memref<2x1024xi32, #tpu.memory_space<vmem>>, %arg7: memref<2x64xf32, #tpu.memory_space<vmem>>, %arg8: memref<8x128xi32, #tpu.memory_space<vmem>>, %arg9: memref<512x64xf32, #tpu.memory_space<vmem>>, %arg10: memref<512x64xf32, #tpu.memory_space<vmem>>, %arg11: memref<11264x64xf32, #tpu.memory_space<vmem_shared>>, %arg12: memref<!tpu.dma_semaphore, #tpu.memory_space<semaphore_mem>>, %arg13: memref<!tpu.dma_semaphore, #tpu.memory_space<semaphore_mem>>, %arg14: memref<!tpu.dma_semaphore, #tpu.memory_space<semaphore_mem>>, %arg15: memref<!tpu.dma_semaphore, #tpu.memory_space<semaphore_mem>>, %arg16: memref<!tpu.dma_semaphore, #tpu.memory_space<semaphore_mem>>) attributes {dimension_semantics = [#tpu.dimension_semantics<core_parallel>, #tpu.dimension_semantics<subcore_parallel>], iteration_bounds = array<i64: 2, 16>, scalar_prefetch = 0 : i64, scratch_operands = 11 : i64, tpu.core_type = #tpu.core_type<sc_vector_subcore>, window_params = [{transform_indices = #map}, {transform_indices = #map}, {transform_indices = #map}, {transform_indices = #map}]} {
    %mul3A = arith.constant 2 : i32
    %mul3A_0 = arith.muli %arg1, %mul3A : i32
    %add3A = arith.addi %mul3A_0, %arg0 : i32
    %mul3A_1 = arith.constant 32 : i32
    %mul3A_2 = arith.muli %add3A, %mul3A_1 : i32
    %iota3A = tpu.iota {dimensions = array<i32: 0>} : vector<16xi32>
    %eq3A = arith.constant 0 : i32
    %eq3A_3 = arith.cmpi eq, %arg1, %eq3A : i32
    %convert_element_type3A = arith.extui %eq3A_3 : i1 to i32
    %cond3A = arith.constant 0 : i32
    %cond3A_4 = arith.cmpi ne, %convert_element_type3A, %cond3A : i32
    scf.if %cond3A_4 {
      "tpu.region"() ({
        %run_scoped3A_25 = tpu.sem_alloc : memref<!tpu.dma_semaphore, #tpu.memory_space<semaphore_mem>>
        tpu.enqueue_dma source(%arg2 : memref<11264x64xf32, #tpu.memory_space<hbm>>) target(%arg11 : memref<11264x64xf32, #tpu.memory_space<vmem_shared>>) target_semaphore(%run_scoped3A_25 : memref<!tpu.dma_semaphore, #tpu.memory_space<semaphore_mem>>)
        tpu.wait_dma2 semaphore(%run_scoped3A_25 : memref<!tpu.dma_semaphore, #tpu.memory_space<semaphore_mem>>) src(%arg2 : memref<11264x64xf32, #tpu.memory_space<hbm>>) dst(%arg11 : memref<11264x64xf32, #tpu.memory_space<vmem_shared>>)
        tpu.yield
      }) : () -> ()
    } else {
    }
    %barrier3A = arith.constant 0 : index
    tpu.barrier barrier_id(%barrier3A)
    %run_scoped3A = arith.constant 0 : i32
    "tpu.region"() ({
      %run_scoped3A_25 = tpu.sem_alloc : memref<!tpu.dma_semaphore, #tpu.memory_space<semaphore_mem>>
      %dma_start3A = arith.constant 0 : i32
      %dma_start3A_26 = tpu.memref_slice %arg6[%run_scoped3A, %dma_start3A] : memref<2x1024xi32, #tpu.memory_space<vmem>> -> memref<1x1024xi32, #tpu.memory_space<vmem>>
      %dma_start3A_27 = tpu.memref_squeeze %dma_start3A_26 : memref<1x1024xi32, #tpu.memory_space<vmem>> -> memref<1024xi32, #tpu.memory_space<vmem>>
      %dma_start3A_28 = arith.constant 0 : i32
      %dma_start3A_29 = tpu.memref_slice %arg3[%mul3A_2, %dma_start3A_28] : memref<1024x1024xi32, #tpu.memory_space<hbm>> -> memref<1x1024xi32, #tpu.memory_space<hbm>>
      %dma_start3A_30 = tpu.memref_squeeze %dma_start3A_29 : memref<1x1024xi32, #tpu.memory_space<hbm>> -> memref<1024xi32, #tpu.memory_space<hbm>>
      %dma_start3A_31 = arith.constant 0 : i32
      %dma_start3A_32 = tpu.memref_slice %arg6[%run_scoped3A, %dma_start3A_31] : memref<2x1024xi32, #tpu.memory_space<vmem>> -> memref<1x1024xi32, #tpu.memory_space<vmem>>
      %dma_start3A_33 = tpu.memref_squeeze %dma_start3A_32 : memref<1x1024xi32, #tpu.memory_space<vmem>> -> memref<1024xi32, #tpu.memory_space<vmem>>
      %dma_start3A_34 = arith.constant 0 : i32
      %dma_start3A_35 = tpu.memref_slice %arg3[%mul3A_2, %dma_start3A_34] : memref<1024x1024xi32, #tpu.memory_space<hbm>> -> memref<1x1024xi32, #tpu.memory_space<hbm>>
      %dma_start3A_36 = tpu.memref_squeeze %dma_start3A_35 : memref<1x1024xi32, #tpu.memory_space<hbm>> -> memref<1024xi32, #tpu.memory_space<hbm>>
      tpu.enqueue_dma source(%dma_start3A_36 : memref<1024xi32, #tpu.memory_space<hbm>>) target(%dma_start3A_33 : memref<1024xi32, #tpu.memory_space<vmem>>) target_semaphore(%run_scoped3A_25 : memref<!tpu.dma_semaphore, #tpu.memory_space<semaphore_mem>>)
      %dma_wait3A_37 = arith.constant 0 : i32
      %dma_wait3A_38 = tpu.memref_slice %arg6[%run_scoped3A, %dma_wait3A_37] : memref<2x1024xi32, #tpu.memory_space<vmem>> -> memref<1x1024xi32, #tpu.memory_space<vmem>>
      %dma_wait3A_39 = tpu.memref_squeeze %dma_wait3A_38 : memref<1x1024xi32, #tpu.memory_space<vmem>> -> memref<1024xi32, #tpu.memory_space<vmem>>
      %dma_wait3A_40 = arith.constant 0 : i32
      %dma_wait3A_41 = tpu.memref_slice %arg3[%mul3A_2, %dma_wait3A_40] : memref<1024x1024xi32, #tpu.memory_space<hbm>> -> memref<1x1024xi32, #tpu.memory_space<hbm>>
      %dma_wait3A_42 = tpu.memref_squeeze %dma_wait3A_41 : memref<1x1024xi32, #tpu.memory_space<hbm>> -> memref<1024xi32, #tpu.memory_space<hbm>>
      %dma_wait3A_43 = arith.constant 0 : i32
      %dma_wait3A_44 = tpu.memref_slice %arg6[%run_scoped3A, %dma_wait3A_43] : memref<2x1024xi32, #tpu.memory_space<vmem>> -> memref<1x1024xi32, #tpu.memory_space<vmem>>
      %dma_wait3A_45 = tpu.memref_squeeze %dma_wait3A_44 : memref<1x1024xi32, #tpu.memory_space<vmem>> -> memref<1024xi32, #tpu.memory_space<vmem>>
      %dma_wait3A_46 = arith.constant 0 : i32
      %dma_wait3A_47 = tpu.memref_slice %arg3[%mul3A_2, %dma_wait3A_46] : memref<1024x1024xi32, #tpu.memory_space<hbm>> -> memref<1x1024xi32, #tpu.memory_space<hbm>>
      %dma_wait3A_48 = tpu.memref_squeeze %dma_wait3A_47 : memref<1x1024xi32, #tpu.memory_space<hbm>> -> memref<1024xi32, #tpu.memory_space<hbm>>
      tpu.wait_dma2 semaphore(%run_scoped3A_25 : memref<!tpu.dma_semaphore, #tpu.memory_space<semaphore_mem>>) src(%dma_wait3A_48 : memref<1024xi32, #tpu.memory_space<hbm>>) dst(%dma_wait3A_45 : memref<1024xi32, #tpu.memory_space<vmem>>)
      tpu.yield
    }) : () -> ()
    %run_scoped3A_5 = arith.constant 0 : i32
    "tpu.region"() ({
      %run_scoped3A_25 = tpu.sem_alloc : memref<!tpu.dma_semaphore, #tpu.memory_space<semaphore_mem>>
      %dma_start3A = arith.constant 0 : i32
      %dma_start3A_26 = tpu.memref_slice %arg7[%run_scoped3A_5, %dma_start3A] : memref<2x64xf32, #tpu.memory_space<vmem>> -> memref<1x64xf32, #tpu.memory_space<vmem>>
      %dma_start3A_27 = tpu.memref_squeeze %dma_start3A_26 : memref<1x64xf32, #tpu.memory_space<vmem>> -> memref<64xf32, #tpu.memory_space<vmem>>
      %dma_start3A_28 = arith.constant 0 : i32
      %dma_start3A_29 = tpu.memref_slice %arg4[%mul3A_2, %dma_start3A_28] : memref<1024x64xf32, #tpu.memory_space<hbm>> -> memref<1x64xf32, #tpu.memory_space<hbm>>
      %dma_start3A_30 = tpu.memref_squeeze %dma_start3A_29 : memref<1x64xf32, #tpu.memory_space<hbm>> -> memref<64xf32, #tpu.memory_space<hbm>>
      %dma_start3A_31 = arith.constant 0 : i32
      %dma_start3A_32 = tpu.memref_slice %arg7[%run_scoped3A_5, %dma_start3A_31] : memref<2x64xf32, #tpu.memory_space<vmem>> -> memref<1x64xf32, #tpu.memory_space<vmem>>
      %dma_start3A_33 = tpu.memref_squeeze %dma_start3A_32 : memref<1x64xf32, #tpu.memory_space<vmem>> -> memref<64xf32, #tpu.memory_space<vmem>>
      %dma_start3A_34 = arith.constant 0 : i32
      %dma_start3A_35 = tpu.memref_slice %arg4[%mul3A_2, %dma_start3A_34] : memref<1024x64xf32, #tpu.memory_space<hbm>> -> memref<1x64xf32, #tpu.memory_space<hbm>>
      %dma_start3A_36 = tpu.memref_squeeze %dma_start3A_35 : memref<1x64xf32, #tpu.memory_space<hbm>> -> memref<64xf32, #tpu.memory_space<hbm>>
      tpu.enqueue_dma source(%dma_start3A_36 : memref<64xf32, #tpu.memory_space<hbm>>) target(%dma_start3A_33 : memref<64xf32, #tpu.memory_space<vmem>>) target_semaphore(%run_scoped3A_25 : memref<!tpu.dma_semaphore, #tpu.memory_space<semaphore_mem>>)
      %dma_wait3A_37 = arith.constant 0 : i32
      %dma_wait3A_38 = tpu.memref_slice %arg7[%run_scoped3A_5, %dma_wait3A_37] : memref<2x64xf32, #tpu.memory_space<vmem>> -> memref<1x64xf32, #tpu.memory_space<vmem>>
      %dma_wait3A_39 = tpu.memref_squeeze %dma_wait3A_38 : memref<1x64xf32, #tpu.memory_space<vmem>> -> memref<64xf32, #tpu.memory_space<vmem>>
      %dma_wait3A_40 = arith.constant 0 : i32
      %dma_wait3A_41 = tpu.memref_slice %arg4[%mul3A_2, %dma_wait3A_40] : memref<1024x64xf32, #tpu.memory_space<hbm>> -> memref<1x64xf32, #tpu.memory_space<hbm>>
      %dma_wait3A_42 = tpu.memref_squeeze %dma_wait3A_41 : memref<1x64xf32, #tpu.memory_space<hbm>> -> memref<64xf32, #tpu.memory_space<hbm>>
      %dma_wait3A_43 = arith.constant 0 : i32
      %dma_wait3A_44 = tpu.memref_slice %arg7[%run_scoped3A_5, %dma_wait3A_43] : memref<2x64xf32, #tpu.memory_space<vmem>> -> memref<1x64xf32, #tpu.memory_space<vmem>>
      %dma_wait3A_45 = tpu.memref_squeeze %dma_wait3A_44 : memref<1x64xf32, #tpu.memory_space<vmem>> -> memref<64xf32, #tpu.memory_space<vmem>>
      %dma_wait3A_46 = arith.constant 0 : i32
      %dma_wait3A_47 = tpu.memref_slice %arg4[%mul3A_2, %dma_wait3A_46] : memref<1024x64xf32, #tpu.memory_space<hbm>> -> memref<1x64xf32, #tpu.memory_space<hbm>>
      %dma_wait3A_48 = tpu.memref_squeeze %dma_wait3A_47 : memref<1x64xf32, #tpu.memory_space<hbm>> -> memref<64xf32, #tpu.memory_space<hbm>>
      tpu.wait_dma2 semaphore(%run_scoped3A_25 : memref<!tpu.dma_semaphore, #tpu.memory_space<semaphore_mem>>) src(%dma_wait3A_48 : memref<64xf32, #tpu.memory_space<hbm>>) dst(%dma_wait3A_45 : memref<64xf32, #tpu.memory_space<vmem>>)
      tpu.yield
    }) : () -> ()
    %scan3A = arith.constant 0 : i32
    %scan3A_6 = arith.constant 0 : i32
    %scan3A_7 = arith.constant 32 : i32
    %scan3A_8 = arith.addi %scan3A_6, %scan3A_7 : i32
    %scan3A_9 = arith.constant 1 : i32
    scf.for %scan3A_25 = %scan3A_6 to %scan3A_8 step %scan3A_9  : i32 {
      %add3A_26 = arith.addi %mul3A_2, %scan3A_25 : i32
      %rem3A = arith.constant 2 : i32
      %rem3A_27 = arith.remsi %scan3A_25, %rem3A : i32
      %add3A_28 = arith.constant 1 : i32
      %add3A_29 = arith.addi %scan3A_25, %add3A_28 : i32
      %rem3A_30 = arith.constant 2 : i32
      %rem3A_31 = arith.remsi %add3A_29, %rem3A_30 : i32
      %lt3A = arith.constant 31 : i32
      %lt3A_32 = arith.cmpi slt, %scan3A_25, %lt3A : i32
      %convert_element_type3A_33 = arith.extui %lt3A_32 : i1 to i32
      %cond3A_34 = arith.constant 0 : i32
      %cond3A_35 = arith.cmpi ne, %convert_element_type3A_33, %cond3A_34 : i32
      scf.if %cond3A_35 {
        %add3A_241 = arith.constant 1 : i32
        %add3A_242 = arith.addi %add3A_26, %add3A_241 : i32
        %dma_start3A_243 = arith.constant 0 : i32
        %dma_start3A_244 = tpu.memref_slice %arg6[%rem3A_31, %dma_start3A_243] : memref<2x1024xi32, #tpu.memory_space<vmem>> -> memref<1x1024xi32, #tpu.memory_space<vmem>>
        %dma_start3A_245 = tpu.memref_squeeze %dma_start3A_244 : memref<1x1024xi32, #tpu.memory_space<vmem>> -> memref<1024xi32, #tpu.memory_space<vmem>>
        %dma_start3A_246 = arith.constant 0 : i32
        %dma_start3A_247 = tpu.memref_slice %arg3[%add3A_242, %dma_start3A_246] : memref<1024x1024xi32, #tpu.memory_space<hbm>> -> memref<1x1024xi32, #tpu.memory_space<hbm>>
        %dma_start3A_248 = tpu.memref_squeeze %dma_start3A_247 : memref<1x1024xi32, #tpu.memory_space<hbm>> -> memref<1024xi32, #tpu.memory_space<hbm>>
        %dma_start3A_249 = arith.constant 0 : i32
        %dma_start3A_250 = tpu.memref_slice %arg6[%rem3A_31, %dma_start3A_249] : memref<2x1024xi32, #tpu.memory_space<vmem>> -> memref<1x1024xi32, #tpu.memory_space<vmem>>
        %dma_start3A_251 = tpu.memref_squeeze %dma_start3A_250 : memref<1x1024xi32, #tpu.memory_space<vmem>> -> memref<1024xi32, #tpu.memory_space<vmem>>
        %dma_start3A_252 = arith.constant 0 : i32
        %dma_start3A_253 = tpu.memref_slice %arg3[%add3A_242, %dma_start3A_252] : memref<1024x1024xi32, #tpu.memory_space<hbm>> -> memref<1x1024xi32, #tpu.memory_space<hbm>>
        %dma_start3A_254 = tpu.memref_squeeze %dma_start3A_253 : memref<1x1024xi32, #tpu.memory_space<hbm>> -> memref<1024xi32, #tpu.memory_space<hbm>>
        tpu.enqueue_dma source(%dma_start3A_254 : memref<1024xi32, #tpu.memory_space<hbm>>) target(%dma_start3A_251 : memref<1024xi32, #tpu.memory_space<vmem>>) target_semaphore(%arg16 : memref<!tpu.dma_semaphore, #tpu.memory_space<semaphore_mem>>)
        %add3A_255 = arith.constant 1 : i32
        %add3A_256 = arith.addi %add3A_26, %add3A_255 : i32
        %dma_start3A_257 = arith.constant 0 : i32
        %dma_start3A_258 = tpu.memref_slice %arg7[%rem3A_31, %dma_start3A_257] : memref<2x64xf32, #tpu.memory_space<vmem>> -> memref<1x64xf32, #tpu.memory_space<vmem>>
        %dma_start3A_259 = tpu.memref_squeeze %dma_start3A_258 : memref<1x64xf32, #tpu.memory_space<vmem>> -> memref<64xf32, #tpu.memory_space<vmem>>
        %dma_start3A_260 = arith.constant 0 : i32
        %dma_start3A_261 = tpu.memref_slice %arg4[%add3A_256, %dma_start3A_260] : memref<1024x64xf32, #tpu.memory_space<hbm>> -> memref<1x64xf32, #tpu.memory_space<hbm>>
        %dma_start3A_262 = tpu.memref_squeeze %dma_start3A_261 : memref<1x64xf32, #tpu.memory_space<hbm>> -> memref<64xf32, #tpu.memory_space<hbm>>
        %dma_start3A_263 = arith.constant 0 : i32
        %dma_start3A_264 = tpu.memref_slice %arg7[%rem3A_31, %dma_start3A_263] : memref<2x64xf32, #tpu.memory_space<vmem>> -> memref<1x64xf32, #tpu.memory_space<vmem>>
        %dma_start3A_265 = tpu.memref_squeeze %dma_start3A_264 : memref<1x64xf32, #tpu.memory_space<vmem>> -> memref<64xf32, #tpu.memory_space<vmem>>
        %dma_start3A_266 = arith.constant 0 : i32
        %dma_start3A_267 = tpu.memref_slice %arg4[%add3A_256, %dma_start3A_266] : memref<1024x64xf32, #tpu.memory_space<hbm>> -> memref<1x64xf32, #tpu.memory_space<hbm>>
        %dma_start3A_268 = tpu.memref_squeeze %dma_start3A_267 : memref<1x64xf32, #tpu.memory_space<hbm>> -> memref<64xf32, #tpu.memory_space<hbm>>
        tpu.enqueue_dma source(%dma_start3A_268 : memref<64xf32, #tpu.memory_space<hbm>>) target(%dma_start3A_265 : memref<64xf32, #tpu.memory_space<vmem>>) target_semaphore(%arg16 : memref<!tpu.dma_semaphore, #tpu.memory_space<semaphore_mem>>)
      } else {
      }
      %parallel_loop3A = arith.constant 0 : i32
      %parallel_loop3A_36 = arith.constant 64 : i32
      %parallel_loop3A_37 = arith.constant 1 : i32
      scf.for %parallel_loop3A_241 = %parallel_loop3A to %parallel_loop3A_36 step %parallel_loop3A_37  : i32 {
        %parallel_loop3A_242 = arith.constant 16 : i32
        %parallel_loop3A_243 = arith.muli %parallel_loop3A_241, %parallel_loop3A_242 : i32
        %parallel_loop3A_244 = arith.index_cast %rem3A_27 : i32 to index
        %parallel_loop3A_245 = arith.index_cast %parallel_loop3A_243 : i32 to index
        %parallel_loop3A_246 = tpu.vector_load %arg6[%parallel_loop3A_244, %parallel_loop3A_245] {strides = array<i32>} : memref<2x1024xi32, #tpu.memory_space<vmem>>, vector<1x16xi32>,
        %parallel_loop3A_247 = vector.shape_cast %parallel_loop3A_246 : vector<1x16xi32> to vector<16xi32>
        %parallel_loop3A_248 = arith.constant -1 : i32
        %parallel_loop3A_249 = arith.constant 9 : i32
        %parallel_loop3A_250 = vector.broadcast %parallel_loop3A_248 : i32 to vector<16xi32>
        %parallel_loop3A_251 = arith.maxsi %parallel_loop3A_250, %parallel_loop3A_247 : vector<16xi32>
        %parallel_loop3A_252 = vector.broadcast %parallel_loop3A_249 : i32 to vector<16xi32>
        %parallel_loop3A_253 = arith.minsi %parallel_loop3A_252, %parallel_loop3A_251 : vector<16xi32>
        %parallel_loop3A_254 = arith.constant 1 : i32
        %parallel_loop3A_255 = vector.broadcast %parallel_loop3A_254 : i32 to vector<16xi32>
        %parallel_loop3A_256 = arith.addi %parallel_loop3A_253, %parallel_loop3A_255 : vector<16xi32>
        %parallel_loop3A_257 = arith.constant 1024 : i32
        %parallel_loop3A_258 = vector.broadcast %parallel_loop3A_257 : i32 to vector<16xi32>
        %parallel_loop3A_259 = arith.muli %parallel_loop3A_256, %parallel_loop3A_258 : vector<16xi32>
        %parallel_loop3A_260 = arith.constant 16 : i32
        %parallel_loop3A_261 = arith.muli %parallel_loop3A_241, %parallel_loop3A_260 : i32
        %parallel_loop3A_262 = vector.broadcast %parallel_loop3A_261 : i32 to vector<16xi32>
        %parallel_loop3A_263 = arith.addi %parallel_loop3A_262, %iota3A : vector<16xi32>
        %parallel_loop3A_264 = arith.addi %parallel_loop3A_259, %parallel_loop3A_263 : vector<16xi32>
        %parallel_loop3A_265 = arith.constant 8 : i32
        %parallel_loop3A_266 = arith.divsi %parallel_loop3A_241, %parallel_loop3A_265 : i32
        %parallel_loop3A_267 = arith.constant 0 : i32
        %parallel_loop3A_268 = arith.cmpi sgt, %parallel_loop3A_241, %parallel_loop3A_267 : i32
        %parallel_loop3A_269 = arith.extui %parallel_loop3A_268 : i1 to i32
        %parallel_loop3A_270 = arith.constant 0 : i32
        %parallel_loop3A_271 = arith.cmpi slt, %parallel_loop3A_241, %parallel_loop3A_270 : i32
        %parallel_loop3A_272 = arith.extui %parallel_loop3A_271 : i1 to i32
        %parallel_loop3A_273 = arith.subi %parallel_loop3A_269, %parallel_loop3A_272 : i32
        %parallel_loop3A_274 = arith.constant 0 : i32
        %parallel_loop3A_275 = arith.cmpi sgt, %parallel_loop3A_265, %parallel_loop3A_274 : i32
        %parallel_loop3A_276 = arith.extui %parallel_loop3A_275 : i1 to i32
        %parallel_loop3A_277 = arith.constant 0 : i32
        %parallel_loop3A_278 = arith.cmpi slt, %parallel_loop3A_265, %parallel_loop3A_277 : i32
        %parallel_loop3A_279 = arith.extui %parallel_loop3A_278 : i1 to i32
        %parallel_loop3A_280 = arith.subi %parallel_loop3A_276, %parallel_loop3A_279 : i32
        %parallel_loop3A_281 = arith.cmpi ne, %parallel_loop3A_273, %parallel_loop3A_280 : i32
        %parallel_loop3A_282 = arith.remsi %parallel_loop3A_241, %parallel_loop3A_265 : i32
        %parallel_loop3A_283 = arith.constant 0 : i32
        %parallel_loop3A_284 = arith.cmpi ne, %parallel_loop3A_282, %parallel_loop3A_283 : i32
        %parallel_loop3A_285 = arith.andi %parallel_loop3A_281, %parallel_loop3A_284 : i1
        %parallel_loop3A_286 = arith.constant 1 : i32
        %parallel_loop3A_287 = arith.subi %parallel_loop3A_266, %parallel_loop3A_286 : i32
        %parallel_loop3A_288 = arith.select %parallel_loop3A_285, %parallel_loop3A_287, %parallel_loop3A_266 : i32
        %parallel_loop3A_289 = arith.constant 8 : i32
        %parallel_loop3A_290 = arith.constant 0 : i32
        %parallel_loop3A_291 = arith.cmpi eq, %parallel_loop3A_289, %parallel_loop3A_290 : i32
        %parallel_loop3A_292 = arith.constant 1 : i32
        %parallel_loop3A_293 = arith.select %parallel_loop3A_291, %parallel_loop3A_292, %parallel_loop3A_289 : i32
        %parallel_loop3A_294 = arith.remsi %parallel_loop3A_241, %parallel_loop3A_293 : i32
        %parallel_loop3A_295 = arith.constant 0 : i32
        %parallel_loop3A_296 = arith.cmpi ne, %parallel_loop3A_294, %parallel_loop3A_295 : i32
        %parallel_loop3A_297 = arith.constant 0 : i32
        %parallel_loop3A_298 = arith.cmpi slt, %parallel_loop3A_294, %parallel_loop3A_297 : i32
        %parallel_loop3A_299 = arith.constant 0 : i32
        %parallel_loop3A_300 = arith.cmpi slt, %parallel_loop3A_293, %parallel_loop3A_299 : i32
        %parallel_loop3A_301 = arith.xori %parallel_loop3A_298, %parallel_loop3A_300 : i1
        %parallel_loop3A_302 = arith.andi %parallel_loop3A_301, %parallel_loop3A_296 : i1
        %parallel_loop3A_303 = arith.addi %parallel_loop3A_294, %parallel_loop3A_293 : i32
        %parallel_loop3A_304 = arith.select %parallel_loop3A_302, %parallel_loop3A_303, %parallel_loop3A_294 : i32
        %parallel_loop3A_305 = arith.constant 16 : i32
        %parallel_loop3A_306 = arith.muli %parallel_loop3A_304, %parallel_loop3A_305 : i32
        %parallel_loop3A_307 = arith.index_cast %parallel_loop3A_288 : i32 to index
        %parallel_loop3A_308 = arith.index_cast %parallel_loop3A_306 : i32 to index
        %parallel_loop3A_309 = tpu.vector_load %arg8[%parallel_loop3A_307, %parallel_loop3A_308] {strides = array<i32>} : memref<8x128xi32, #tpu.memory_space<vmem>>, vector<1x16xi32>,
        %parallel_loop3A_310 = vector.shape_cast %parallel_loop3A_309 : vector<1x16xi32> to vector<16xi32>
        %parallel_loop3A_311 = vector.shape_cast %parallel_loop3A_264 : vector<16xi32> to vector<1x16xi32>
        tpu.vector_store %arg8[%parallel_loop3A_307, %parallel_loop3A_308], %parallel_loop3A_311 {strides = array<i32>} : memref<8x128xi32, #tpu.memory_space<vmem>>, vector<1x16xi32>,
      } {sc.loop_unroll_factor = 4 : i64, sc.parallel_access}
      %gt3A = arith.constant 0 : i32
      %gt3A_38 = arith.cmpi sgt, %scan3A_25, %gt3A : i32
      %convert_element_type3A_39 = arith.extui %gt3A_38 : i1 to i32
      %cond3A_40 = arith.constant 0 : i32
      %cond3A_41 = arith.cmpi ne, %convert_element_type3A_39, %cond3A_40 : i32
      scf.if %cond3A_41 {
        %sub3A_241 = arith.constant 1 : i32
        %sub3A_242 = arith.subi %add3A_26, %sub3A_241 : i32
        %mul3A_243 = arith.constant 1024 : i32
        %mul3A_244 = arith.muli %sub3A_242, %mul3A_243 : i32
        %dma_wait3A_245 = arith.constant 0 : i32
        %dma_wait3A_246 = tpu.memref_slice %arg5[%mul3A_244, %dma_wait3A_245] : memref<1048576x64xf32, #tpu.memory_space<hbm>> -> memref<512x64xf32, #tpu.memory_space<hbm>>
        %dma_wait3A_247 = arith.constant 0 : i32
        %dma_wait3A_248 = tpu.memref_slice %arg5[%mul3A_244, %dma_wait3A_247] : memref<1048576x64xf32, #tpu.memory_space<hbm>> -> memref<512x64xf32, #tpu.memory_space<hbm>>
        tpu.wait_dma2 semaphore(%arg14 : memref<!tpu.dma_semaphore, #tpu.memory_space<semaphore_mem>>) src(%arg9 : memref<512x64xf32, #tpu.memory_space<vmem>>) dst(%dma_wait3A_248 : memref<512x64xf32, #tpu.memory_space<hbm>>)
        %add3A_249 = arith.constant 512 : i32
        %add3A_250 = arith.addi %mul3A_244, %add3A_249 : i32
        %dma_wait3A_251 = arith.constant 0 : i32
        %dma_wait3A_252 = tpu.memref_slice %arg5[%add3A_250, %dma_wait3A_251] : memref<1048576x64xf32, #tpu.memory_space<hbm>> -> memref<512x64xf32, #tpu.memory_space<hbm>>
        %dma_wait3A_253 = arith.constant 0 : i32
        %dma_wait3A_254 = tpu.memref_slice %arg5[%add3A_250, %dma_wait3A_253] : memref<1048576x64xf32, #tpu.memory_space<hbm>> -> memref<512x64xf32, #tpu.memory_space<hbm>>
        tpu.wait_dma2 semaphore(%arg15 : memref<!tpu.dma_semaphore, #tpu.memory_space<semaphore_mem>>) src(%arg10 : memref<512x64xf32, #tpu.memory_space<vmem>>) dst(%dma_wait3A_254 : memref<512x64xf32, #tpu.memory_space<hbm>>)
      } else {
      }
      %dma_start3A = arith.constant 0 : i32
      %dma_start3A_42 = arith.constant 0 : i32
      %dma_start3A_43 = arith.constant 0 : i32
      %dma_start3A_44 = tpu.memref_slice %arg9[%dma_start3A_42, %dma_start3A_43] : memref<512x64xf32, #tpu.memory_space<vmem>> -> memref<128x64xf32, #tpu.memory_space<vmem>>
      %dma_start3A_45 = arith.constant 0 : i32
      %dma_start3A_46 = tpu.memref_slice %arg8[%dma_start3A, %dma_start3A_45] : memref<8x128xi32, #tpu.memory_space<vmem>> -> memref<1x128xi32, #tpu.memory_space<vmem>>
      %dma_start3A_47 = tpu.memref_squeeze %dma_start3A_46 : memref<1x128xi32, #tpu.memory_space<vmem>> -> memref<128xi32, #tpu.memory_space<vmem>>
      %dma_start3A_48 = arith.constant 0 : i32
      %dma_start3A_49 = arith.constant 0 : i32
      %dma_start3A_50 = tpu.memref_slice %arg11[%dma_start3A_48, %dma_start3A_49] : memref<11264x64xf32, #tpu.memory_space<vmem_shared>> -> memref<11264x64xf32, #tpu.memory_space<vmem_shared>>
      tpu.enqueue_indirect_dma source(%dma_start3A_50 : memref<11264x64xf32, #tpu.memory_space<vmem_shared>>) target(%dma_start3A_44 : memref<128x64xf32, #tpu.memory_space<vmem>>) offsets(%dma_start3A_47 : memref<128xi32, #tpu.memory_space<vmem>>) semaphore(%arg12 : memref<!tpu.dma_semaphore, #tpu.memory_space<semaphore_mem>>)
      %dma_start3A_51 = arith.constant 1 : i32
      %dma_start3A_52 = arith.constant 128 : i32
      %dma_start3A_53 = arith.constant 0 : i32
      %dma_start3A_54 = tpu.memref_slice %arg9[%dma_start3A_52, %dma_start3A_53] : memref<512x64xf32, #tpu.memory_space<vmem>> -> memref<128x64xf32, #tpu.memory_space<vmem>>
      %dma_start3A_55 = arith.constant 0 : i32
      %dma_start3A_56 = tpu.memref_slice %arg8[%dma_start3A_51, %dma_start3A_55] : memref<8x128xi32, #tpu.memory_space<vmem>> -> memref<1x128xi32, #tpu.memory_space<vmem>>
      %dma_start3A_57 = tpu.memref_squeeze %dma_start3A_56 : memref<1x128xi32, #tpu.memory_space<vmem>> -> memref<128xi32, #tpu.memory_space<vmem>>
      %dma_start3A_58 = arith.constant 0 : i32
      %dma_start3A_59 = arith.constant 0 : i32
      %dma_start3A_60 = tpu.memref_slice %arg11[%dma_start3A_58, %dma_start3A_59] : memref<11264x64xf32, #tpu.memory_space<vmem_shared>> -> memref<11264x64xf32, #tpu.memory_space<vmem_shared>>
      tpu.enqueue_indirect_dma source(%dma_start3A_60 : memref<11264x64xf32, #tpu.memory_space<vmem_shared>>) target(%dma_start3A_54 : memref<128x64xf32, #tpu.memory_space<vmem>>) offsets(%dma_start3A_57 : memref<128xi32, #tpu.memory_space<vmem>>) semaphore(%arg12 : memref<!tpu.dma_semaphore, #tpu.memory_space<semaphore_mem>>)
      %dma_start3A_61 = arith.constant 2 : i32
      %dma_start3A_62 = arith.constant 256 : i32
      %dma_start3A_63 = arith.constant 0 : i32
      %dma_start3A_64 = tpu.memref_slice %arg9[%dma_start3A_62, %dma_start3A_63] : memref<512x64xf32, #tpu.memory_space<vmem>> -> memref<128x64xf32, #tpu.memory_space<vmem>>
      %dma_start3A_65 = arith.constant 0 : i32
      %dma_start3A_66 = tpu.memref_slice %arg8[%dma_start3A_61, %dma_start3A_65] : memref<8x128xi32, #tpu.memory_space<vmem>> -> memref<1x128xi32, #tpu.memory_space<vmem>>
      %dma_start3A_67 = tpu.memref_squeeze %dma_start3A_66 : memref<1x128xi32, #tpu.memory_space<vmem>> -> memref<128xi32, #tpu.memory_space<vmem>>
      %dma_start3A_68 = arith.constant 0 : i32
      %dma_start3A_69 = arith.constant 0 : i32
      %dma_start3A_70 = tpu.memref_slice %arg11[%dma_start3A_68, %dma_start3A_69] : memref<11264x64xf32, #tpu.memory_space<vmem_shared>> -> memref<11264x64xf32, #tpu.memory_space<vmem_shared>>
      tpu.enqueue_indirect_dma source(%dma_start3A_70 : memref<11264x64xf32, #tpu.memory_space<vmem_shared>>) target(%dma_start3A_64 : memref<128x64xf32, #tpu.memory_space<vmem>>) offsets(%dma_start3A_67 : memref<128xi32, #tpu.memory_space<vmem>>) semaphore(%arg12 : memref<!tpu.dma_semaphore, #tpu.memory_space<semaphore_mem>>)
      %dma_start3A_71 = arith.constant 3 : i32
      %dma_start3A_72 = arith.constant 384 : i32
      %dma_start3A_73 = arith.constant 0 : i32
      %dma_start3A_74 = tpu.memref_slice %arg9[%dma_start3A_72, %dma_start3A_73] : memref<512x64xf32, #tpu.memory_space<vmem>> -> memref<128x64xf32, #tpu.memory_space<vmem>>
      %dma_start3A_75 = arith.constant 0 : i32
      %dma_start3A_76 = tpu.memref_slice %arg8[%dma_start3A_71, %dma_start3A_75] : memref<8x128xi32, #tpu.memory_space<vmem>> -> memref<1x128xi32, #tpu.memory_space<vmem>>
      %dma_start3A_77 = tpu.memref_squeeze %dma_start3A_76 : memref<1x128xi32, #tpu.memory_space<vmem>> -> memref<128xi32, #tpu.memory_space<vmem>>
      %dma_start3A_78 = arith.constant 0 : i32
      %dma_start3A_79 = arith.constant 0 : i32
      %dma_start3A_80 = tpu.memref_slice %arg11[%dma_start3A_78, %dma_start3A_79] : memref<11264x64xf32, #tpu.memory_space<vmem_shared>> -> memref<11264x64xf32, #tpu.memory_space<vmem_shared>>
      tpu.enqueue_indirect_dma source(%dma_start3A_80 : memref<11264x64xf32, #tpu.memory_space<vmem_shared>>) target(%dma_start3A_74 : memref<128x64xf32, #tpu.memory_space<vmem>>) offsets(%dma_start3A_77 : memref<128xi32, #tpu.memory_space<vmem>>) semaphore(%arg12 : memref<!tpu.dma_semaphore, #tpu.memory_space<semaphore_mem>>)
      %dma_start3A_81 = arith.constant 4 : i32
      %dma_start3A_82 = arith.constant 0 : i32
      %dma_start3A_83 = arith.constant 0 : i32
      %dma_start3A_84 = tpu.memref_slice %arg10[%dma_start3A_82, %dma_start3A_83] : memref<512x64xf32, #tpu.memory_space<vmem>> -> memref<128x64xf32, #tpu.memory_space<vmem>>
      %dma_start3A_85 = arith.constant 0 : i32
      %dma_start3A_86 = tpu.memref_slice %arg8[%dma_start3A_81, %dma_start3A_85] : memref<8x128xi32, #tpu.memory_space<vmem>> -> memref<1x128xi32, #tpu.memory_space<vmem>>
      %dma_start3A_87 = tpu.memref_squeeze %dma_start3A_86 : memref<1x128xi32, #tpu.memory_space<vmem>> -> memref<128xi32, #tpu.memory_space<vmem>>
      %dma_start3A_88 = arith.constant 0 : i32
      %dma_start3A_89 = arith.constant 0 : i32
      %dma_start3A_90 = tpu.memref_slice %arg11[%dma_start3A_88, %dma_start3A_89] : memref<11264x64xf32, #tpu.memory_space<vmem_shared>> -> memref<11264x64xf32, #tpu.memory_space<vmem_shared>>
      tpu.enqueue_indirect_dma source(%dma_start3A_90 : memref<11264x64xf32, #tpu.memory_space<vmem_shared>>) target(%dma_start3A_84 : memref<128x64xf32, #tpu.memory_space<vmem>>) offsets(%dma_start3A_87 : memref<128xi32, #tpu.memory_space<vmem>>) semaphore(%arg13 : memref<!tpu.dma_semaphore, #tpu.memory_space<semaphore_mem>>)
      %dma_start3A_91 = arith.constant 5 : i32
      %dma_start3A_92 = arith.constant 128 : i32
      %dma_start3A_93 = arith.constant 0 : i32
      %dma_start3A_94 = tpu.memref_slice %arg10[%dma_start3A_92, %dma_start3A_93] : memref<512x64xf32, #tpu.memory_space<vmem>> -> memref<128x64xf32, #tpu.memory_space<vmem>>
      %dma_start3A_95 = arith.constant 0 : i32
      %dma_start3A_96 = tpu.memref_slice %arg8[%dma_start3A_91, %dma_start3A_95] : memref<8x128xi32, #tpu.memory_space<vmem>> -> memref<1x128xi32, #tpu.memory_space<vmem>>
      %dma_start3A_97 = tpu.memref_squeeze %dma_start3A_96 : memref<1x128xi32, #tpu.memory_space<vmem>> -> memref<128xi32, #tpu.memory_space<vmem>>
      %dma_start3A_98 = arith.constant 0 : i32
      %dma_start3A_99 = arith.constant 0 : i32
      %dma_start3A_100 = tpu.memref_slice %arg11[%dma_start3A_98, %dma_start3A_99] : memref<11264x64xf32, #tpu.memory_space<vmem_shared>> -> memref<11264x64xf32, #tpu.memory_space<vmem_shared>>
      tpu.enqueue_indirect_dma source(%dma_start3A_100 : memref<11264x64xf32, #tpu.memory_space<vmem_shared>>) target(%dma_start3A_94 : memref<128x64xf32, #tpu.memory_space<vmem>>) offsets(%dma_start3A_97 : memref<128xi32, #tpu.memory_space<vmem>>) semaphore(%arg13 : memref<!tpu.dma_semaphore, #tpu.memory_space<semaphore_mem>>)
      %dma_start3A_101 = arith.constant 6 : i32
      %dma_start3A_102 = arith.constant 256 : i32
      %dma_start3A_103 = arith.constant 0 : i32
      %dma_start3A_104 = tpu.memref_slice %arg10[%dma_start3A_102, %dma_start3A_103] : memref<512x64xf32, #tpu.memory_space<vmem>> -> memref<128x64xf32, #tpu.memory_space<vmem>>
      %dma_start3A_105 = arith.constant 0 : i32
      %dma_start3A_106 = tpu.memref_slice %arg8[%dma_start3A_101, %dma_start3A_105] : memref<8x128xi32, #tpu.memory_space<vmem>> -> memref<1x128xi32, #tpu.memory_space<vmem>>
      %dma_start3A_107 = tpu.memref_squeeze %dma_start3A_106 : memref<1x128xi32, #tpu.memory_space<vmem>> -> memref<128xi32, #tpu.memory_space<vmem>>
      %dma_start3A_108 = arith.constant 0 : i32
      %dma_start3A_109 = arith.constant 0 : i32
      %dma_start3A_110 = tpu.memref_slice %arg11[%dma_start3A_108, %dma_start3A_109] : memref<11264x64xf32, #tpu.memory_space<vmem_shared>> -> memref<11264x64xf32, #tpu.memory_space<vmem_shared>>
      tpu.enqueue_indirect_dma source(%dma_start3A_110 : memref<11264x64xf32, #tpu.memory_space<vmem_shared>>) target(%dma_start3A_104 : memref<128x64xf32, #tpu.memory_space<vmem>>) offsets(%dma_start3A_107 : memref<128xi32, #tpu.memory_space<vmem>>) semaphore(%arg13 : memref<!tpu.dma_semaphore, #tpu.memory_space<semaphore_mem>>)
      %dma_start3A_111 = arith.constant 7 : i32
      %dma_start3A_112 = arith.constant 384 : i32
      %dma_start3A_113 = arith.constant 0 : i32
      %dma_start3A_114 = tpu.memref_slice %arg10[%dma_start3A_112, %dma_start3A_113] : memref<512x64xf32, #tpu.memory_space<vmem>> -> memref<128x64xf32, #tpu.memory_space<vmem>>
      %dma_start3A_115 = arith.constant 0 : i32
      %dma_start3A_116 = tpu.memref_slice %arg8[%dma_start3A_111, %dma_start3A_115] : memref<8x128xi32, #tpu.memory_space<vmem>> -> memref<1x128xi32, #tpu.memory_space<vmem>>
      %dma_start3A_117 = tpu.memref_squeeze %dma_start3A_116 : memref<1x128xi32, #tpu.memory_space<vmem>> -> memref<128xi32, #tpu.memory_space<vmem>>
      %dma_start3A_118 = arith.constant 0 : i32
      %dma_start3A_119 = arith.constant 0 : i32
      %dma_start3A_120 = tpu.memref_slice %arg11[%dma_start3A_118, %dma_start3A_119] : memref<11264x64xf32, #tpu.memory_space<vmem_shared>> -> memref<11264x64xf32, #tpu.memory_space<vmem_shared>>
      tpu.enqueue_indirect_dma source(%dma_start3A_120 : memref<11264x64xf32, #tpu.memory_space<vmem_shared>>) target(%dma_start3A_114 : memref<128x64xf32, #tpu.memory_space<vmem>>) offsets(%dma_start3A_117 : memref<128xi32, #tpu.memory_space<vmem>>) semaphore(%arg13 : memref<!tpu.dma_semaphore, #tpu.memory_space<semaphore_mem>>)
      %get3A = arith.index_cast %rem3A_27 : i32 to index
      %get3A_121 = arith.constant 0 : index
      %get3A_122 = tpu.vector_load %arg7[%get3A, %get3A_121] {strides = array<i32>} : memref<2x64xf32, #tpu.memory_space<vmem>>, vector<1x16xf32>,
      %get3A_123 = vector.shape_cast %get3A_122 : vector<1x16xf32> to vector<16xf32>
      %get3A_124 = arith.index_cast %rem3A_27 : i32 to index
      %get3A_125 = arith.constant 16 : index
      %get3A_126 = tpu.vector_load %arg7[%get3A_124, %get3A_125] {strides = array<i32>} : memref<2x64xf32, #tpu.memory_space<vmem>>, vector<1x16xf32>,
      %get3A_127 = vector.shape_cast %get3A_126 : vector<1x16xf32> to vector<16xf32>
      %get3A_128 = arith.index_cast %rem3A_27 : i32 to index
      %get3A_129 = arith.constant 32 : index
      %get3A_130 = tpu.vector_load %arg7[%get3A_128, %get3A_129] {strides = array<i32>} : memref<2x64xf32, #tpu.memory_space<vmem>>, vector<1x16xf32>,
      %get3A_131 = vector.shape_cast %get3A_130 : vector<1x16xf32> to vector<16xf32>
      %get3A_132 = arith.index_cast %rem3A_27 : i32 to index
      %get3A_133 = arith.constant 48 : index
      %get3A_134 = tpu.vector_load %arg7[%get3A_132, %get3A_133] {strides = array<i32>} : memref<2x64xf32, #tpu.memory_space<vmem>>, vector<1x16xf32>,
      %get3A_135 = vector.shape_cast %get3A_134 : vector<1x16xf32> to vector<16xf32>
      %dma_wait3A_136 = arith.constant 0 : i32
      %dma_wait3A_137 = arith.constant 0 : i32
      %dma_wait3A_138 = arith.constant 0 : i32
      %dma_wait3A_139 = tpu.memref_slice %arg9[%dma_wait3A_137, %dma_wait3A_138] : memref<512x64xf32, #tpu.memory_space<vmem>> -> memref<128x64xf32, #tpu.memory_space<vmem>>
      %dma_wait3A_140 = arith.constant 0 : i32
      %dma_wait3A_141 = tpu.memref_slice %arg8[%dma_wait3A_136, %dma_wait3A_140] : memref<8x128xi32, #tpu.memory_space<vmem>> -> memref<1x128xi32, #tpu.memory_space<vmem>>
      %dma_wait3A_142 = tpu.memref_squeeze %dma_wait3A_141 : memref<1x128xi32, #tpu.memory_space<vmem>> -> memref<128xi32, #tpu.memory_space<vmem>>
      %dma_wait3A_143 = arith.constant 0 : i32
      %dma_wait3A_144 = arith.constant 0 : i32
      %dma_wait3A_145 = tpu.memref_slice %arg11[%dma_wait3A_143, %dma_wait3A_144] : memref<11264x64xf32, #tpu.memory_space<vmem_shared>> -> memref<11264x64xf32, #tpu.memory_space<vmem_shared>>
      tpu.wait_indirect_dma semaphore(%arg12 : memref<!tpu.dma_semaphore, #tpu.memory_space<semaphore_mem>>) src(%dma_wait3A_145 : memref<11264x64xf32, #tpu.memory_space<vmem_shared>>) dst(%dma_wait3A_139 : memref<128x64xf32, #tpu.memory_space<vmem>>)
      %dma_wait3A_146 = arith.constant 1 : i32
      %dma_wait3A_147 = arith.constant 128 : i32
      %dma_wait3A_148 = arith.constant 0 : i32
      %dma_wait3A_149 = tpu.memref_slice %arg9[%dma_wait3A_147, %dma_wait3A_148] : memref<512x64xf32, #tpu.memory_space<vmem>> -> memref<128x64xf32, #tpu.memory_space<vmem>>
      %dma_wait3A_150 = arith.constant 0 : i32
      %dma_wait3A_151 = tpu.memref_slice %arg8[%dma_wait3A_146, %dma_wait3A_150] : memref<8x128xi32, #tpu.memory_space<vmem>> -> memref<1x128xi32, #tpu.memory_space<vmem>>
      %dma_wait3A_152 = tpu.memref_squeeze %dma_wait3A_151 : memref<1x128xi32, #tpu.memory_space<vmem>> -> memref<128xi32, #tpu.memory_space<vmem>>
      %dma_wait3A_153 = arith.constant 0 : i32
      %dma_wait3A_154 = arith.constant 0 : i32
      %dma_wait3A_155 = tpu.memref_slice %arg11[%dma_wait3A_153, %dma_wait3A_154] : memref<11264x64xf32, #tpu.memory_space<vmem_shared>> -> memref<11264x64xf32, #tpu.memory_space<vmem_shared>>
      tpu.wait_indirect_dma semaphore(%arg12 : memref<!tpu.dma_semaphore, #tpu.memory_space<semaphore_mem>>) src(%dma_wait3A_155 : memref<11264x64xf32, #tpu.memory_space<vmem_shared>>) dst(%dma_wait3A_149 : memref<128x64xf32, #tpu.memory_space<vmem>>)
      %dma_wait3A_156 = arith.constant 2 : i32
      %dma_wait3A_157 = arith.constant 256 : i32
      %dma_wait3A_158 = arith.constant 0 : i32
      %dma_wait3A_159 = tpu.memref_slice %arg9[%dma_wait3A_157, %dma_wait3A_158] : memref<512x64xf32, #tpu.memory_space<vmem>> -> memref<128x64xf32, #tpu.memory_space<vmem>>
      %dma_wait3A_160 = arith.constant 0 : i32
      %dma_wait3A_161 = tpu.memref_slice %arg8[%dma_wait3A_156, %dma_wait3A_160] : memref<8x128xi32, #tpu.memory_space<vmem>> -> memref<1x128xi32, #tpu.memory_space<vmem>>
      %dma_wait3A_162 = tpu.memref_squeeze %dma_wait3A_161 : memref<1x128xi32, #tpu.memory_space<vmem>> -> memref<128xi32, #tpu.memory_space<vmem>>
      %dma_wait3A_163 = arith.constant 0 : i32
      %dma_wait3A_164 = arith.constant 0 : i32
      %dma_wait3A_165 = tpu.memref_slice %arg11[%dma_wait3A_163, %dma_wait3A_164] : memref<11264x64xf32, #tpu.memory_space<vmem_shared>> -> memref<11264x64xf32, #tpu.memory_space<vmem_shared>>
      tpu.wait_indirect_dma semaphore(%arg12 : memref<!tpu.dma_semaphore, #tpu.memory_space<semaphore_mem>>) src(%dma_wait3A_165 : memref<11264x64xf32, #tpu.memory_space<vmem_shared>>) dst(%dma_wait3A_159 : memref<128x64xf32, #tpu.memory_space<vmem>>)
      %dma_wait3A_166 = arith.constant 3 : i32
      %dma_wait3A_167 = arith.constant 384 : i32
      %dma_wait3A_168 = arith.constant 0 : i32
      %dma_wait3A_169 = tpu.memref_slice %arg9[%dma_wait3A_167, %dma_wait3A_168] : memref<512x64xf32, #tpu.memory_space<vmem>> -> memref<128x64xf32, #tpu.memory_space<vmem>>
      %dma_wait3A_170 = arith.constant 0 : i32
      %dma_wait3A_171 = tpu.memref_slice %arg8[%dma_wait3A_166, %dma_wait3A_170] : memref<8x128xi32, #tpu.memory_space<vmem>> -> memref<1x128xi32, #tpu.memory_space<vmem>>
      %dma_wait3A_172 = tpu.memref_squeeze %dma_wait3A_171 : memref<1x128xi32, #tpu.memory_space<vmem>> -> memref<128xi32, #tpu.memory_space<vmem>>
      %dma_wait3A_173 = arith.constant 0 : i32
      %dma_wait3A_174 = arith.constant 0 : i32
      %dma_wait3A_175 = tpu.memref_slice %arg11[%dma_wait3A_173, %dma_wait3A_174] : memref<11264x64xf32, #tpu.memory_space<vmem_shared>> -> memref<11264x64xf32, #tpu.memory_space<vmem_shared>>
      tpu.wait_indirect_dma semaphore(%arg12 : memref<!tpu.dma_semaphore, #tpu.memory_space<semaphore_mem>>) src(%dma_wait3A_175 : memref<11264x64xf32, #tpu.memory_space<vmem_shared>>) dst(%dma_wait3A_169 : memref<128x64xf32, #tpu.memory_space<vmem>>)
      %parallel_loop3A_176 = arith.constant 0 : i32
      %parallel_loop3A_177 = arith.constant 512 : i32
      %parallel_loop3A_178 = arith.constant 1 : i32
      scf.for %parallel_loop3A_241 = %parallel_loop3A_176 to %parallel_loop3A_177 step %parallel_loop3A_178  : i32 {
        %parallel_loop3A_242 = arith.index_cast %parallel_loop3A_241 : i32 to index
        %parallel_loop3A_243 = arith.constant 0 : index
        %parallel_loop3A_244 = tpu.vector_load %arg9[%parallel_loop3A_242, %parallel_loop3A_243] {strides = array<i32>} : memref<512x64xf32, #tpu.memory_space<vmem>>, vector<1x16xf32>,
        %parallel_loop3A_245 = vector.shape_cast %parallel_loop3A_244 : vector<1x16xf32> to vector<16xf32>
        %parallel_loop3A_246 = vector.shape_cast %get3A_123 : vector<16xf32> to vector<1x16xf32>
        tpu.vector_store %arg9[%parallel_loop3A_242, %parallel_loop3A_243], %parallel_loop3A_246 {add = true, strides = array<i32>} : memref<512x64xf32, #tpu.memory_space<vmem>>, vector<1x16xf32>,
        %parallel_loop3A_247 = arith.index_cast %parallel_loop3A_241 : i32 to index
        %parallel_loop3A_248 = arith.constant 16 : index
        %parallel_loop3A_249 = tpu.vector_load %arg9[%parallel_loop3A_247, %parallel_loop3A_248] {strides = array<i32>} : memref<512x64xf32, #tpu.memory_space<vmem>>, vector<1x16xf32>,
        %parallel_loop3A_250 = vector.shape_cast %parallel_loop3A_249 : vector<1x16xf32> to vector<16xf32>
        %parallel_loop3A_251 = vector.shape_cast %get3A_127 : vector<16xf32> to vector<1x16xf32>
        tpu.vector_store %arg9[%parallel_loop3A_247, %parallel_loop3A_248], %parallel_loop3A_251 {add = true, strides = array<i32>} : memref<512x64xf32, #tpu.memory_space<vmem>>, vector<1x16xf32>,
        %parallel_loop3A_252 = arith.index_cast %parallel_loop3A_241 : i32 to index
        %parallel_loop3A_253 = arith.constant 32 : index
        %parallel_loop3A_254 = tpu.vector_load %arg9[%parallel_loop3A_252, %parallel_loop3A_253] {strides = array<i32>} : memref<512x64xf32, #tpu.memory_space<vmem>>, vector<1x16xf32>,
        %parallel_loop3A_255 = vector.shape_cast %parallel_loop3A_254 : vector<1x16xf32> to vector<16xf32>
        %parallel_loop3A_256 = vector.shape_cast %get3A_131 : vector<16xf32> to vector<1x16xf32>
        tpu.vector_store %arg9[%parallel_loop3A_252, %parallel_loop3A_253], %parallel_loop3A_256 {add = true, strides = array<i32>} : memref<512x64xf32, #tpu.memory_space<vmem>>, vector<1x16xf32>,
        %parallel_loop3A_257 = arith.index_cast %parallel_loop3A_241 : i32 to index
        %parallel_loop3A_258 = arith.constant 48 : index
        %parallel_loop3A_259 = tpu.vector_load %arg9[%parallel_loop3A_257, %parallel_loop3A_258] {strides = array<i32>} : memref<512x64xf32, #tpu.memory_space<vmem>>, vector<1x16xf32>,
        %parallel_loop3A_260 = vector.shape_cast %parallel_loop3A_259 : vector<1x16xf32> to vector<16xf32>
        %parallel_loop3A_261 = vector.shape_cast %get3A_135 : vector<16xf32> to vector<1x16xf32>
        tpu.vector_store %arg9[%parallel_loop3A_257, %parallel_loop3A_258], %parallel_loop3A_261 {add = true, strides = array<i32>} : memref<512x64xf32, #tpu.memory_space<vmem>>, vector<1x16xf32>,
      } {sc.loop_unroll_factor = 8 : i64, sc.parallel_access}
      %mul3A_179 = arith.constant 1024 : i32
      %mul3A_180 = arith.muli %add3A_26, %mul3A_179 : i32
      %dma_start3A_181 = arith.constant 0 : i32
      %dma_start3A_182 = tpu.memref_slice %arg5[%mul3A_180, %dma_start3A_181] : memref<1048576x64xf32, #tpu.memory_space<hbm>> -> memref<512x64xf32, #tpu.memory_space<hbm>>
      %dma_start3A_183 = arith.constant 0 : i32
      %dma_start3A_184 = tpu.memref_slice %arg5[%mul3A_180, %dma_start3A_183] : memref<1048576x64xf32, #tpu.memory_space<hbm>> -> memref<512x64xf32, #tpu.memory_space<hbm>>
      tpu.enqueue_dma source(%arg9 : memref<512x64xf32, #tpu.memory_space<vmem>>) target(%dma_start3A_184 : memref<512x64xf32, #tpu.memory_space<hbm>>) target_semaphore(%arg14 : memref<!tpu.dma_semaphore, #tpu.memory_space<semaphore_mem>>)
      %dma_wait3A_185 = arith.constant 4 : i32
      %dma_wait3A_186 = arith.constant 0 : i32
      %dma_wait3A_187 = arith.constant 0 : i32
      %dma_wait3A_188 = tpu.memref_slice %arg10[%dma_wait3A_186, %dma_wait3A_187] : memref<512x64xf32, #tpu.memory_space<vmem>> -> memref<128x64xf32, #tpu.memory_space<vmem>>
      %dma_wait3A_189 = arith.constant 0 : i32
      %dma_wait3A_190 = tpu.memref_slice %arg8[%dma_wait3A_185, %dma_wait3A_189] : memref<8x128xi32, #tpu.memory_space<vmem>> -> memref<1x128xi32, #tpu.memory_space<vmem>>
      %dma_wait3A_191 = tpu.memref_squeeze %dma_wait3A_190 : memref<1x128xi32, #tpu.memory_space<vmem>> -> memref<128xi32, #tpu.memory_space<vmem>>
      %dma_wait3A_192 = arith.constant 0 : i32
      %dma_wait3A_193 = arith.constant 0 : i32
      %dma_wait3A_194 = tpu.memref_slice %arg11[%dma_wait3A_192, %dma_wait3A_193] : memref<11264x64xf32, #tpu.memory_space<vmem_shared>> -> memref<11264x64xf32, #tpu.memory_space<vmem_shared>>
      tpu.wait_indirect_dma semaphore(%arg13 : memref<!tpu.dma_semaphore, #tpu.memory_space<semaphore_mem>>) src(%dma_wait3A_194 : memref<11264x64xf32, #tpu.memory_space<vmem_shared>>) dst(%dma_wait3A_188 : memref<128x64xf32, #tpu.memory_space<vmem>>)
      %dma_wait3A_195 = arith.constant 5 : i32
      %dma_wait3A_196 = arith.constant 128 : i32
      %dma_wait3A_197 = arith.constant 0 : i32
      %dma_wait3A_198 = tpu.memref_slice %arg10[%dma_wait3A_196, %dma_wait3A_197] : memref<512x64xf32, #tpu.memory_space<vmem>> -> memref<128x64xf32, #tpu.memory_space<vmem>>
      %dma_wait3A_199 = arith.constant 0 : i32
      %dma_wait3A_200 = tpu.memref_slice %arg8[%dma_wait3A_195, %dma_wait3A_199] : memref<8x128xi32, #tpu.memory_space<vmem>> -> memref<1x128xi32, #tpu.memory_space<vmem>>
      %dma_wait3A_201 = tpu.memref_squeeze %dma_wait3A_200 : memref<1x128xi32, #tpu.memory_space<vmem>> -> memref<128xi32, #tpu.memory_space<vmem>>
      %dma_wait3A_202 = arith.constant 0 : i32
      %dma_wait3A_203 = arith.constant 0 : i32
      %dma_wait3A_204 = tpu.memref_slice %arg11[%dma_wait3A_202, %dma_wait3A_203] : memref<11264x64xf32, #tpu.memory_space<vmem_shared>> -> memref<11264x64xf32, #tpu.memory_space<vmem_shared>>
      tpu.wait_indirect_dma semaphore(%arg13 : memref<!tpu.dma_semaphore, #tpu.memory_space<semaphore_mem>>) src(%dma_wait3A_204 : memref<11264x64xf32, #tpu.memory_space<vmem_shared>>) dst(%dma_wait3A_198 : memref<128x64xf32, #tpu.memory_space<vmem>>)
      %dma_wait3A_205 = arith.constant 6 : i32
      %dma_wait3A_206 = arith.constant 256 : i32
      %dma_wait3A_207 = arith.constant 0 : i32
      %dma_wait3A_208 = tpu.memref_slice %arg10[%dma_wait3A_206, %dma_wait3A_207] : memref<512x64xf32, #tpu.memory_space<vmem>> -> memref<128x64xf32, #tpu.memory_space<vmem>>
      %dma_wait3A_209 = arith.constant 0 : i32
      %dma_wait3A_210 = tpu.memref_slice %arg8[%dma_wait3A_205, %dma_wait3A_209] : memref<8x128xi32, #tpu.memory_space<vmem>> -> memref<1x128xi32, #tpu.memory_space<vmem>>
      %dma_wait3A_211 = tpu.memref_squeeze %dma_wait3A_210 : memref<1x128xi32, #tpu.memory_space<vmem>> -> memref<128xi32, #tpu.memory_space<vmem>>
      %dma_wait3A_212 = arith.constant 0 : i32
      %dma_wait3A_213 = arith.constant 0 : i32
      %dma_wait3A_214 = tpu.memref_slice %arg11[%dma_wait3A_212, %dma_wait3A_213] : memref<11264x64xf32, #tpu.memory_space<vmem_shared>> -> memref<11264x64xf32, #tpu.memory_space<vmem_shared>>
      tpu.wait_indirect_dma semaphore(%arg13 : memref<!tpu.dma_semaphore, #tpu.memory_space<semaphore_mem>>) src(%dma_wait3A_214 : memref<11264x64xf32, #tpu.memory_space<vmem_shared>>) dst(%dma_wait3A_208 : memref<128x64xf32, #tpu.memory_space<vmem>>)
      %dma_wait3A_215 = arith.constant 7 : i32
      %dma_wait3A_216 = arith.constant 384 : i32
      %dma_wait3A_217 = arith.constant 0 : i32
      %dma_wait3A_218 = tpu.memref_slice %arg10[%dma_wait3A_216, %dma_wait3A_217] : memref<512x64xf32, #tpu.memory_space<vmem>> -> memref<128x64xf32, #tpu.memory_space<vmem>>
      %dma_wait3A_219 = arith.constant 0 : i32
      %dma_wait3A_220 = tpu.memref_slice %arg8[%dma_wait3A_215, %dma_wait3A_219] : memref<8x128xi32, #tpu.memory_space<vmem>> -> memref<1x128xi32, #tpu.memory_space<vmem>>
      %dma_wait3A_221 = tpu.memref_squeeze %dma_wait3A_220 : memref<1x128xi32, #tpu.memory_space<vmem>> -> memref<128xi32, #tpu.memory_space<vmem>>
      %dma_wait3A_222 = arith.constant 0 : i32
      %dma_wait3A_223 = arith.constant 0 : i32
      %dma_wait3A_224 = tpu.memref_slice %arg11[%dma_wait3A_222, %dma_wait3A_223] : memref<11264x64xf32, #tpu.memory_space<vmem_shared>> -> memref<11264x64xf32, #tpu.memory_space<vmem_shared>>
      tpu.wait_indirect_dma semaphore(%arg13 : memref<!tpu.dma_semaphore, #tpu.memory_space<semaphore_mem>>) src(%dma_wait3A_224 : memref<11264x64xf32, #tpu.memory_space<vmem_shared>>) dst(%dma_wait3A_218 : memref<128x64xf32, #tpu.memory_space<vmem>>)
      %parallel_loop3A_225 = arith.constant 0 : i32
      %parallel_loop3A_226 = arith.constant 512 : i32
      %parallel_loop3A_227 = arith.constant 1 : i32
      scf.for %parallel_loop3A_241 = %parallel_loop3A_225 to %parallel_loop3A_226 step %parallel_loop3A_227  : i32 {
        %parallel_loop3A_242 = arith.index_cast %parallel_loop3A_241 : i32 to index
        %parallel_loop3A_243 = arith.constant 0 : index
        %parallel_loop3A_244 = tpu.vector_load %arg10[%parallel_loop3A_242, %parallel_loop3A_243] {strides = array<i32>} : memref<512x64xf32, #tpu.memory_space<vmem>>, vector<1x16xf32>,
        %parallel_loop3A_245 = vector.shape_cast %parallel_loop3A_244 : vector<1x16xf32> to vector<16xf32>
        %parallel_loop3A_246 = vector.shape_cast %get3A_123 : vector<16xf32> to vector<1x16xf32>
        tpu.vector_store %arg10[%parallel_loop3A_242, %parallel_loop3A_243], %parallel_loop3A_246 {add = true, strides = array<i32>} : memref<512x64xf32, #tpu.memory_space<vmem>>, vector<1x16xf32>,
        %parallel_loop3A_247 = arith.index_cast %parallel_loop3A_241 : i32 to index
        %parallel_loop3A_248 = arith.constant 16 : index
        %parallel_loop3A_249 = tpu.vector_load %arg10[%parallel_loop3A_247, %parallel_loop3A_248] {strides = array<i32>} : memref<512x64xf32, #tpu.memory_space<vmem>>, vector<1x16xf32>,
        %parallel_loop3A_250 = vector.shape_cast %parallel_loop3A_249 : vector<1x16xf32> to vector<16xf32>
        %parallel_loop3A_251 = vector.shape_cast %get3A_127 : vector<16xf32> to vector<1x16xf32>
        tpu.vector_store %arg10[%parallel_loop3A_247, %parallel_loop3A_248], %parallel_loop3A_251 {add = true, strides = array<i32>} : memref<512x64xf32, #tpu.memory_space<vmem>>, vector<1x16xf32>,
        %parallel_loop3A_252 = arith.index_cast %parallel_loop3A_241 : i32 to index
        %parallel_loop3A_253 = arith.constant 32 : index
        %parallel_loop3A_254 = tpu.vector_load %arg10[%parallel_loop3A_252, %parallel_loop3A_253] {strides = array<i32>} : memref<512x64xf32, #tpu.memory_space<vmem>>, vector<1x16xf32>,
        %parallel_loop3A_255 = vector.shape_cast %parallel_loop3A_254 : vector<1x16xf32> to vector<16xf32>
        %parallel_loop3A_256 = vector.shape_cast %get3A_131 : vector<16xf32> to vector<1x16xf32>
        tpu.vector_store %arg10[%parallel_loop3A_252, %parallel_loop3A_253], %parallel_loop3A_256 {add = true, strides = array<i32>} : memref<512x64xf32, #tpu.memory_space<vmem>>, vector<1x16xf32>,
        %parallel_loop3A_257 = arith.index_cast %parallel_loop3A_241 : i32 to index
        %parallel_loop3A_258 = arith.constant 48 : index
        %parallel_loop3A_259 = tpu.vector_load %arg10[%parallel_loop3A_257, %parallel_loop3A_258] {strides = array<i32>} : memref<512x64xf32, #tpu.memory_space<vmem>>, vector<1x16xf32>,
        %parallel_loop3A_260 = vector.shape_cast %parallel_loop3A_259 : vector<1x16xf32> to vector<16xf32>
        %parallel_loop3A_261 = vector.shape_cast %get3A_135 : vector<16xf32> to vector<1x16xf32>
        tpu.vector_store %arg10[%parallel_loop3A_257, %parallel_loop3A_258], %parallel_loop3A_261 {add = true, strides = array<i32>} : memref<512x64xf32, #tpu.memory_space<vmem>>, vector<1x16xf32>,
      } {sc.loop_unroll_factor = 8 : i64, sc.parallel_access}
      %mul3A_228 = arith.constant 1024 : i32
      %mul3A_229 = arith.muli %add3A_26, %mul3A_228 : i32
      %add3A_230 = arith.constant 512 : i32
      %add3A_231 = arith.addi %mul3A_229, %add3A_230 : i32
      %dma_start3A_232 = arith.constant 0 : i32
      %dma_start3A_233 = tpu.memref_slice %arg5[%add3A_231, %dma_start3A_232] : memref<1048576x64xf32, #tpu.memory_space<hbm>> -> memref<512x64xf32, #tpu.memory_space<hbm>>
      %dma_start3A_234 = arith.constant 0 : i32
      %dma_start3A_235 = tpu.memref_slice %arg5[%add3A_231, %dma_start3A_234] : memref<1048576x64xf32, #tpu.memory_space<hbm>> -> memref<512x64xf32, #tpu.memory_space<hbm>>
      tpu.enqueue_dma source(%arg10 : memref<512x64xf32, #tpu.memory_space<vmem>>) target(%dma_start3A_235 : memref<512x64xf32, #tpu.memory_space<hbm>>) target_semaphore(%arg15 : memref<!tpu.dma_semaphore, #tpu.memory_space<semaphore_mem>>)
      %lt3A_236 = arith.constant 31 : i32
      %lt3A_237 = arith.cmpi slt, %scan3A_25, %lt3A_236 : i32
      %convert_element_type3A_238 = arith.extui %lt3A_237 : i1 to i32
      %cond3A_239 = arith.constant 0 : i32
      %cond3A_240 = arith.cmpi ne, %convert_element_type3A_238, %cond3A_239 : i32
      scf.if %cond3A_240 {
        %add3A_241 = arith.constant 1 : i32
        %add3A_242 = arith.addi %add3A_26, %add3A_241 : i32
        %dma_wait3A_243 = arith.constant 0 : i32
        %dma_wait3A_244 = tpu.memref_slice %arg6[%rem3A_31, %dma_wait3A_243] : memref<2x1024xi32, #tpu.memory_space<vmem>> -> memref<1x1024xi32, #tpu.memory_space<vmem>>
        %dma_wait3A_245 = tpu.memref_squeeze %dma_wait3A_244 : memref<1x1024xi32, #tpu.memory_space<vmem>> -> memref<1024xi32, #tpu.memory_space<vmem>>
        %dma_wait3A_246 = arith.constant 0 : i32
        %dma_wait3A_247 = tpu.memref_slice %arg3[%add3A_242, %dma_wait3A_246] : memref<1024x1024xi32, #tpu.memory_space<hbm>> -> memref<1x1024xi32, #tpu.memory_space<hbm>>
        %dma_wait3A_248 = tpu.memref_squeeze %dma_wait3A_247 : memref<1x1024xi32, #tpu.memory_space<hbm>> -> memref<1024xi32, #tpu.memory_space<hbm>>
        %dma_wait3A_249 = arith.constant 0 : i32
        %dma_wait3A_250 = tpu.memref_slice %arg6[%rem3A_31, %dma_wait3A_249] : memref<2x1024xi32, #tpu.memory_space<vmem>> -> memref<1x1024xi32, #tpu.memory_space<vmem>>
        %dma_wait3A_251 = tpu.memref_squeeze %dma_wait3A_250 : memref<1x1024xi32, #tpu.memory_space<vmem>> -> memref<1024xi32, #tpu.memory_space<vmem>>
        %dma_wait3A_252 = arith.constant 0 : i32
        %dma_wait3A_253 = tpu.memref_slice %arg3[%add3A_242, %dma_wait3A_252] : memref<1024x1024xi32, #tpu.memory_space<hbm>> -> memref<1x1024xi32, #tpu.memory_space<hbm>>
        %dma_wait3A_254 = tpu.memref_squeeze %dma_wait3A_253 : memref<1x1024xi32, #tpu.memory_space<hbm>> -> memref<1024xi32, #tpu.memory_space<hbm>>
        tpu.wait_dma2 semaphore(%arg16 : memref<!tpu.dma_semaphore, #tpu.memory_space<semaphore_mem>>) src(%dma_wait3A_254 : memref<1024xi32, #tpu.memory_space<hbm>>) dst(%dma_wait3A_251 : memref<1024xi32, #tpu.memory_space<vmem>>)
        %add3A_255 = arith.constant 1 : i32
        %add3A_256 = arith.addi %add3A_26, %add3A_255 : i32
        %dma_wait3A_257 = arith.constant 0 : i32
        %dma_wait3A_258 = tpu.memref_slice %arg7[%rem3A_31, %dma_wait3A_257] : memref<2x64xf32, #tpu.memory_space<vmem>> -> memref<1x64xf32, #tpu.memory_space<vmem>>
        %dma_wait3A_259 = tpu.memref_squeeze %dma_wait3A_258 : memref<1x64xf32, #tpu.memory_space<vmem>> -> memref<64xf32, #tpu.memory_space<vmem>>
        %dma_wait3A_260 = arith.constant 0 : i32
        %dma_wait3A_261 = tpu.memref_slice %arg4[%add3A_256, %dma_wait3A_260] : memref<1024x64xf32, #tpu.memory_space<hbm>> -> memref<1x64xf32, #tpu.memory_space<hbm>>
        %dma_wait3A_262 = tpu.memref_squeeze %dma_wait3A_261 : memref<1x64xf32, #tpu.memory_space<hbm>> -> memref<64xf32, #tpu.memory_space<hbm>>
        %dma_wait3A_263 = arith.constant 0 : i32
        %dma_wait3A_264 = tpu.memref_slice %arg7[%rem3A_31, %dma_wait3A_263] : memref<2x64xf32, #tpu.memory_space<vmem>> -> memref<1x64xf32, #tpu.memory_space<vmem>>
        %dma_wait3A_265 = tpu.memref_squeeze %dma_wait3A_264 : memref<1x64xf32, #tpu.memory_space<vmem>> -> memref<64xf32, #tpu.memory_space<vmem>>
        %dma_wait3A_266 = arith.constant 0 : i32
        %dma_wait3A_267 = tpu.memref_slice %arg4[%add3A_256, %dma_wait3A_266] : memref<1024x64xf32, #tpu.memory_space<hbm>> -> memref<1x64xf32, #tpu.memory_space<hbm>>
        %dma_wait3A_268 = tpu.memref_squeeze %dma_wait3A_267 : memref<1x64xf32, #tpu.memory_space<hbm>> -> memref<64xf32, #tpu.memory_space<hbm>>
        tpu.wait_dma2 semaphore(%arg16 : memref<!tpu.dma_semaphore, #tpu.memory_space<semaphore_mem>>) src(%dma_wait3A_268 : memref<64xf32, #tpu.memory_space<hbm>>) dst(%dma_wait3A_265 : memref<64xf32, #tpu.memory_space<vmem>>)
      } else {
      }
    }
    %scan3A_10 = arith.constant 32 : i32
    %add3A_11 = arith.constant 32 : i32
    %add3A_12 = arith.addi %mul3A_2, %add3A_11 : i32
    %sub3A = arith.constant 1 : i32
    %sub3A_13 = arith.subi %add3A_12, %sub3A : i32
    %mul3A_14 = arith.constant 1024 : i32
    %mul3A_15 = arith.muli %sub3A_13, %mul3A_14 : i32
    %dma_wait3A = arith.constant 0 : i32
    %dma_wait3A_16 = tpu.memref_slice %arg5[%mul3A_15, %dma_wait3A] : memref<1048576x64xf32, #tpu.memory_space<hbm>> -> memref<512x64xf32, #tpu.memory_space<hbm>>
    %dma_wait3A_17 = arith.constant 0 : i32
    %dma_wait3A_18 = tpu.memref_slice %arg5[%mul3A_15, %dma_wait3A_17] : memref<1048576x64xf32, #tpu.memory_space<hbm>> -> memref<512x64xf32, #tpu.memory_space<hbm>>
    tpu.wait_dma2 semaphore(%arg14 : memref<!tpu.dma_semaphore, #tpu.memory_space<semaphore_mem>>) src(%arg9 : memref<512x64xf32, #tpu.memory_space<vmem>>) dst(%dma_wait3A_18 : memref<512x64xf32, #tpu.memory_space<hbm>>)
    %add3A_19 = arith.constant 512 : i32
    %add3A_20 = arith.addi %mul3A_15, %add3A_19 : i32
    %dma_wait3A_21 = arith.constant 0 : i32
    %dma_wait3A_22 = tpu.memref_slice %arg5[%add3A_20, %dma_wait3A_21] : memref<1048576x64xf32, #tpu.memory_space<hbm>> -> memref<512x64xf32, #tpu.memory_space<hbm>>
    %dma_wait3A_23 = arith.constant 0 : i32
    %dma_wait3A_24 = tpu.memref_slice %arg5[%add3A_20, %dma_wait3A_23] : memref<1048576x64xf32, #tpu.memory_space<hbm>> -> memref<512x64xf32, #tpu.memory_space<hbm>>
    tpu.wait_dma2 semaphore(%arg15 : memref<!tpu.dma_semaphore, #tpu.memory_space<semaphore_mem>>) src(%arg10 : memref<512x64xf32, #tpu.memory_space<vmem>>) dst(%dma_wait3A_24 : memref<512x64xf32, #tpu.memory_space<hbm>>)
    return
  }
}

module attributes {stable_mosaic.version = 14 : i64} {
  func.func @_table_body(%arg0: memref<11x64xf32, #tpu.memory_space<vmem>>, %arg1: memref<1024x64xf32, #tpu.memory_space<vmem>>, %arg2: memref<11x1024x64xf32, #tpu.memory_space<vmem>>) attributes {dimension_semantics = [], scalar_prefetch = 0 : i64, scratch_operands = 0 : i64, tpu.core_type = #tpu.core_type<tc>} {
    %get3A = arith.constant 0 : index
    %get3A_0 = arith.constant 0 : index
    %get3A_1 = vector.load %arg1[%get3A, %get3A_0] : memref<1024x64xf32, #tpu.memory_space<vmem>>, vector<1024x64xf32>
    %get3A_2 = arith.constant 0 : index
    %get3A_3 = arith.constant 0 : index
    %get3A_4 = vector.load %arg0[%get3A_2, %get3A_3] : memref<11x64xf32, #tpu.memory_space<vmem>>, vector<1x64xf32>
    %get3A_5 = vector.shape_cast %get3A_4 : vector<1x64xf32> to vector<64xf32>
    %broadcast_in_dim3A = vector.shape_cast %get3A_5 : vector<64xf32> to vector<1x64xf32>
    %add3A = vector.broadcast %broadcast_in_dim3A : vector<1x64xf32> to vector<1024x64xf32>
    %add3A_6 = arith.addf %get3A_1, %add3A : vector<1024x64xf32>
    %swap3A = arith.constant 0 : index
    %swap3A_7 = arith.constant 0 : index
    %swap3A_8 = arith.constant 0 : index
    %swap3A_9 = vector.load %arg2[%swap3A, %swap3A_7, %swap3A_8] : memref<11x1024x64xf32, #tpu.memory_space<vmem>>, vector<1x1024x64xf32>
    %swap3A_10 = vector.shape_cast %swap3A_9 : vector<1x1024x64xf32> to vector<1024x64xf32>
    %swap3A_11 = vector.shape_cast %add3A_6 : vector<1024x64xf32> to vector<1x1024x64xf32>
    tpu.vector_store %arg2[%swap3A, %swap3A_7, %swap3A_8], %swap3A_11 {strides = array<i32>} : memref<11x1024x64xf32, #tpu.memory_space<vmem>>, vector<1x1024x64xf32>,
    %get3A_12 = arith.constant 0 : index
    %get3A_13 = arith.constant 0 : index
    %get3A_14 = vector.load %arg1[%get3A_12, %get3A_13] : memref<1024x64xf32, #tpu.memory_space<vmem>>, vector<1024x64xf32>
    %get3A_15 = arith.constant 1 : index
    %get3A_16 = arith.constant 0 : index
    %get3A_17 = vector.load %arg0[%get3A_15, %get3A_16] : memref<11x64xf32, #tpu.memory_space<vmem>>, vector<1x64xf32>
    %get3A_18 = vector.shape_cast %get3A_17 : vector<1x64xf32> to vector<64xf32>
    %broadcast_in_dim3A_19 = vector.shape_cast %get3A_18 : vector<64xf32> to vector<1x64xf32>
    %add3A_20 = vector.broadcast %broadcast_in_dim3A_19 : vector<1x64xf32> to vector<1024x64xf32>
    %add3A_21 = arith.addf %get3A_14, %add3A_20 : vector<1024x64xf32>
    %swap3A_22 = arith.constant 1 : index
    %swap3A_23 = arith.constant 0 : index
    %swap3A_24 = arith.constant 0 : index
    %swap3A_25 = vector.load %arg2[%swap3A_22, %swap3A_23, %swap3A_24] : memref<11x1024x64xf32, #tpu.memory_space<vmem>>, vector<1x1024x64xf32>
    %swap3A_26 = vector.shape_cast %swap3A_25 : vector<1x1024x64xf32> to vector<1024x64xf32>
    %swap3A_27 = vector.shape_cast %add3A_21 : vector<1024x64xf32> to vector<1x1024x64xf32>
    tpu.vector_store %arg2[%swap3A_22, %swap3A_23, %swap3A_24], %swap3A_27 {strides = array<i32>} : memref<11x1024x64xf32, #tpu.memory_space<vmem>>, vector<1x1024x64xf32>,
    %get3A_28 = arith.constant 0 : index
    %get3A_29 = arith.constant 0 : index
    %get3A_30 = vector.load %arg1[%get3A_28, %get3A_29] : memref<1024x64xf32, #tpu.memory_space<vmem>>, vector<1024x64xf32>
    %get3A_31 = arith.constant 2 : index
    %get3A_32 = arith.constant 0 : index
    %get3A_33 = vector.load %arg0[%get3A_31, %get3A_32] : memref<11x64xf32, #tpu.memory_space<vmem>>, vector<1x64xf32>
    %get3A_34 = vector.shape_cast %get3A_33 : vector<1x64xf32> to vector<64xf32>
    %broadcast_in_dim3A_35 = vector.shape_cast %get3A_34 : vector<64xf32> to vector<1x64xf32>
    %add3A_36 = vector.broadcast %broadcast_in_dim3A_35 : vector<1x64xf32> to vector<1024x64xf32>
    %add3A_37 = arith.addf %get3A_30, %add3A_36 : vector<1024x64xf32>
    %swap3A_38 = arith.constant 2 : index
    %swap3A_39 = arith.constant 0 : index
    %swap3A_40 = arith.constant 0 : index
    %swap3A_41 = vector.load %arg2[%swap3A_38, %swap3A_39, %swap3A_40] : memref<11x1024x64xf32, #tpu.memory_space<vmem>>, vector<1x1024x64xf32>
    %swap3A_42 = vector.shape_cast %swap3A_41 : vector<1x1024x64xf32> to vector<1024x64xf32>
    %swap3A_43 = vector.shape_cast %add3A_37 : vector<1024x64xf32> to vector<1x1024x64xf32>
    tpu.vector_store %arg2[%swap3A_38, %swap3A_39, %swap3A_40], %swap3A_43 {strides = array<i32>} : memref<11x1024x64xf32, #tpu.memory_space<vmem>>, vector<1x1024x64xf32>,
    %get3A_44 = arith.constant 0 : index
    %get3A_45 = arith.constant 0 : index
    %get3A_46 = vector.load %arg1[%get3A_44, %get3A_45] : memref<1024x64xf32, #tpu.memory_space<vmem>>, vector<1024x64xf32>
    %get3A_47 = arith.constant 3 : index
    %get3A_48 = arith.constant 0 : index
    %get3A_49 = vector.load %arg0[%get3A_47, %get3A_48] : memref<11x64xf32, #tpu.memory_space<vmem>>, vector<1x64xf32>
    %get3A_50 = vector.shape_cast %get3A_49 : vector<1x64xf32> to vector<64xf32>
    %broadcast_in_dim3A_51 = vector.shape_cast %get3A_50 : vector<64xf32> to vector<1x64xf32>
    %add3A_52 = vector.broadcast %broadcast_in_dim3A_51 : vector<1x64xf32> to vector<1024x64xf32>
    %add3A_53 = arith.addf %get3A_46, %add3A_52 : vector<1024x64xf32>
    %swap3A_54 = arith.constant 3 : index
    %swap3A_55 = arith.constant 0 : index
    %swap3A_56 = arith.constant 0 : index
    %swap3A_57 = vector.load %arg2[%swap3A_54, %swap3A_55, %swap3A_56] : memref<11x1024x64xf32, #tpu.memory_space<vmem>>, vector<1x1024x64xf32>
    %swap3A_58 = vector.shape_cast %swap3A_57 : vector<1x1024x64xf32> to vector<1024x64xf32>
    %swap3A_59 = vector.shape_cast %add3A_53 : vector<1024x64xf32> to vector<1x1024x64xf32>
    tpu.vector_store %arg2[%swap3A_54, %swap3A_55, %swap3A_56], %swap3A_59 {strides = array<i32>} : memref<11x1024x64xf32, #tpu.memory_space<vmem>>, vector<1x1024x64xf32>,
    %get3A_60 = arith.constant 0 : index
    %get3A_61 = arith.constant 0 : index
    %get3A_62 = vector.load %arg1[%get3A_60, %get3A_61] : memref<1024x64xf32, #tpu.memory_space<vmem>>, vector<1024x64xf32>
    %get3A_63 = arith.constant 4 : index
    %get3A_64 = arith.constant 0 : index
    %get3A_65 = vector.load %arg0[%get3A_63, %get3A_64] : memref<11x64xf32, #tpu.memory_space<vmem>>, vector<1x64xf32>
    %get3A_66 = vector.shape_cast %get3A_65 : vector<1x64xf32> to vector<64xf32>
    %broadcast_in_dim3A_67 = vector.shape_cast %get3A_66 : vector<64xf32> to vector<1x64xf32>
    %add3A_68 = vector.broadcast %broadcast_in_dim3A_67 : vector<1x64xf32> to vector<1024x64xf32>
    %add3A_69 = arith.addf %get3A_62, %add3A_68 : vector<1024x64xf32>
    %swap3A_70 = arith.constant 4 : index
    %swap3A_71 = arith.constant 0 : index
    %swap3A_72 = arith.constant 0 : index
    %swap3A_73 = vector.load %arg2[%swap3A_70, %swap3A_71, %swap3A_72] : memref<11x1024x64xf32, #tpu.memory_space<vmem>>, vector<1x1024x64xf32>
    %swap3A_74 = vector.shape_cast %swap3A_73 : vector<1x1024x64xf32> to vector<1024x64xf32>
    %swap3A_75 = vector.shape_cast %add3A_69 : vector<1024x64xf32> to vector<1x1024x64xf32>
    tpu.vector_store %arg2[%swap3A_70, %swap3A_71, %swap3A_72], %swap3A_75 {strides = array<i32>} : memref<11x1024x64xf32, #tpu.memory_space<vmem>>, vector<1x1024x64xf32>,
    %get3A_76 = arith.constant 0 : index
    %get3A_77 = arith.constant 0 : index
    %get3A_78 = vector.load %arg1[%get3A_76, %get3A_77] : memref<1024x64xf32, #tpu.memory_space<vmem>>, vector<1024x64xf32>
    %get3A_79 = arith.constant 5 : index
    %get3A_80 = arith.constant 0 : index
    %get3A_81 = vector.load %arg0[%get3A_79, %get3A_80] : memref<11x64xf32, #tpu.memory_space<vmem>>, vector<1x64xf32>
    %get3A_82 = vector.shape_cast %get3A_81 : vector<1x64xf32> to vector<64xf32>
    %broadcast_in_dim3A_83 = vector.shape_cast %get3A_82 : vector<64xf32> to vector<1x64xf32>
    %add3A_84 = vector.broadcast %broadcast_in_dim3A_83 : vector<1x64xf32> to vector<1024x64xf32>
    %add3A_85 = arith.addf %get3A_78, %add3A_84 : vector<1024x64xf32>
    %swap3A_86 = arith.constant 5 : index
    %swap3A_87 = arith.constant 0 : index
    %swap3A_88 = arith.constant 0 : index
    %swap3A_89 = vector.load %arg2[%swap3A_86, %swap3A_87, %swap3A_88] : memref<11x1024x64xf32, #tpu.memory_space<vmem>>, vector<1x1024x64xf32>
    %swap3A_90 = vector.shape_cast %swap3A_89 : vector<1x1024x64xf32> to vector<1024x64xf32>
    %swap3A_91 = vector.shape_cast %add3A_85 : vector<1024x64xf32> to vector<1x1024x64xf32>
    tpu.vector_store %arg2[%swap3A_86, %swap3A_87, %swap3A_88], %swap3A_91 {strides = array<i32>} : memref<11x1024x64xf32, #tpu.memory_space<vmem>>, vector<1x1024x64xf32>,
    %get3A_92 = arith.constant 0 : index
    %get3A_93 = arith.constant 0 : index
    %get3A_94 = vector.load %arg1[%get3A_92, %get3A_93] : memref<1024x64xf32, #tpu.memory_space<vmem>>, vector<1024x64xf32>
    %get3A_95 = arith.constant 6 : index
    %get3A_96 = arith.constant 0 : index
    %get3A_97 = vector.load %arg0[%get3A_95, %get3A_96] : memref<11x64xf32, #tpu.memory_space<vmem>>, vector<1x64xf32>
    %get3A_98 = vector.shape_cast %get3A_97 : vector<1x64xf32> to vector<64xf32>
    %broadcast_in_dim3A_99 = vector.shape_cast %get3A_98 : vector<64xf32> to vector<1x64xf32>
    %add3A_100 = vector.broadcast %broadcast_in_dim3A_99 : vector<1x64xf32> to vector<1024x64xf32>
    %add3A_101 = arith.addf %get3A_94, %add3A_100 : vector<1024x64xf32>
    %swap3A_102 = arith.constant 6 : index
    %swap3A_103 = arith.constant 0 : index
    %swap3A_104 = arith.constant 0 : index
    %swap3A_105 = vector.load %arg2[%swap3A_102, %swap3A_103, %swap3A_104] : memref<11x1024x64xf32, #tpu.memory_space<vmem>>, vector<1x1024x64xf32>
    %swap3A_106 = vector.shape_cast %swap3A_105 : vector<1x1024x64xf32> to vector<1024x64xf32>
    %swap3A_107 = vector.shape_cast %add3A_101 : vector<1024x64xf32> to vector<1x1024x64xf32>
    tpu.vector_store %arg2[%swap3A_102, %swap3A_103, %swap3A_104], %swap3A_107 {strides = array<i32>} : memref<11x1024x64xf32, #tpu.memory_space<vmem>>, vector<1x1024x64xf32>,
    %get3A_108 = arith.constant 0 : index
    %get3A_109 = arith.constant 0 : index
    %get3A_110 = vector.load %arg1[%get3A_108, %get3A_109] : memref<1024x64xf32, #tpu.memory_space<vmem>>, vector<1024x64xf32>
    %get3A_111 = arith.constant 7 : index
    %get3A_112 = arith.constant 0 : index
    %get3A_113 = vector.load %arg0[%get3A_111, %get3A_112] : memref<11x64xf32, #tpu.memory_space<vmem>>, vector<1x64xf32>
    %get3A_114 = vector.shape_cast %get3A_113 : vector<1x64xf32> to vector<64xf32>
    %broadcast_in_dim3A_115 = vector.shape_cast %get3A_114 : vector<64xf32> to vector<1x64xf32>
    %add3A_116 = vector.broadcast %broadcast_in_dim3A_115 : vector<1x64xf32> to vector<1024x64xf32>
    %add3A_117 = arith.addf %get3A_110, %add3A_116 : vector<1024x64xf32>
    %swap3A_118 = arith.constant 7 : index
    %swap3A_119 = arith.constant 0 : index
    %swap3A_120 = arith.constant 0 : index
    %swap3A_121 = vector.load %arg2[%swap3A_118, %swap3A_119, %swap3A_120] : memref<11x1024x64xf32, #tpu.memory_space<vmem>>, vector<1x1024x64xf32>
    %swap3A_122 = vector.shape_cast %swap3A_121 : vector<1x1024x64xf32> to vector<1024x64xf32>
    %swap3A_123 = vector.shape_cast %add3A_117 : vector<1024x64xf32> to vector<1x1024x64xf32>
    tpu.vector_store %arg2[%swap3A_118, %swap3A_119, %swap3A_120], %swap3A_123 {strides = array<i32>} : memref<11x1024x64xf32, #tpu.memory_space<vmem>>, vector<1x1024x64xf32>,
    %get3A_124 = arith.constant 0 : index
    %get3A_125 = arith.constant 0 : index
    %get3A_126 = vector.load %arg1[%get3A_124, %get3A_125] : memref<1024x64xf32, #tpu.memory_space<vmem>>, vector<1024x64xf32>
    %get3A_127 = arith.constant 8 : index
    %get3A_128 = arith.constant 0 : index
    %get3A_129 = vector.load %arg0[%get3A_127, %get3A_128] : memref<11x64xf32, #tpu.memory_space<vmem>>, vector<1x64xf32>
    %get3A_130 = vector.shape_cast %get3A_129 : vector<1x64xf32> to vector<64xf32>
    %broadcast_in_dim3A_131 = vector.shape_cast %get3A_130 : vector<64xf32> to vector<1x64xf32>
    %add3A_132 = vector.broadcast %broadcast_in_dim3A_131 : vector<1x64xf32> to vector<1024x64xf32>
    %add3A_133 = arith.addf %get3A_126, %add3A_132 : vector<1024x64xf32>
    %swap3A_134 = arith.constant 8 : index
    %swap3A_135 = arith.constant 0 : index
    %swap3A_136 = arith.constant 0 : index
    %swap3A_137 = vector.load %arg2[%swap3A_134, %swap3A_135, %swap3A_136] : memref<11x1024x64xf32, #tpu.memory_space<vmem>>, vector<1x1024x64xf32>
    %swap3A_138 = vector.shape_cast %swap3A_137 : vector<1x1024x64xf32> to vector<1024x64xf32>
    %swap3A_139 = vector.shape_cast %add3A_133 : vector<1024x64xf32> to vector<1x1024x64xf32>
    tpu.vector_store %arg2[%swap3A_134, %swap3A_135, %swap3A_136], %swap3A_139 {strides = array<i32>} : memref<11x1024x64xf32, #tpu.memory_space<vmem>>, vector<1x1024x64xf32>,
    %get3A_140 = arith.constant 0 : index
    %get3A_141 = arith.constant 0 : index
    %get3A_142 = vector.load %arg1[%get3A_140, %get3A_141] : memref<1024x64xf32, #tpu.memory_space<vmem>>, vector<1024x64xf32>
    %get3A_143 = arith.constant 9 : index
    %get3A_144 = arith.constant 0 : index
    %get3A_145 = vector.load %arg0[%get3A_143, %get3A_144] : memref<11x64xf32, #tpu.memory_space<vmem>>, vector<1x64xf32>
    %get3A_146 = vector.shape_cast %get3A_145 : vector<1x64xf32> to vector<64xf32>
    %broadcast_in_dim3A_147 = vector.shape_cast %get3A_146 : vector<64xf32> to vector<1x64xf32>
    %add3A_148 = vector.broadcast %broadcast_in_dim3A_147 : vector<1x64xf32> to vector<1024x64xf32>
    %add3A_149 = arith.addf %get3A_142, %add3A_148 : vector<1024x64xf32>
    %swap3A_150 = arith.constant 9 : index
    %swap3A_151 = arith.constant 0 : index
    %swap3A_152 = arith.constant 0 : index
    %swap3A_153 = vector.load %arg2[%swap3A_150, %swap3A_151, %swap3A_152] : memref<11x1024x64xf32, #tpu.memory_space<vmem>>, vector<1x1024x64xf32>
    %swap3A_154 = vector.shape_cast %swap3A_153 : vector<1x1024x64xf32> to vector<1024x64xf32>
    %swap3A_155 = vector.shape_cast %add3A_149 : vector<1024x64xf32> to vector<1x1024x64xf32>
    tpu.vector_store %arg2[%swap3A_150, %swap3A_151, %swap3A_152], %swap3A_155 {strides = array<i32>} : memref<11x1024x64xf32, #tpu.memory_space<vmem>>, vector<1x1024x64xf32>,
    %get3A_156 = arith.constant 0 : index
    %get3A_157 = arith.constant 0 : index
    %get3A_158 = vector.load %arg1[%get3A_156, %get3A_157] : memref<1024x64xf32, #tpu.memory_space<vmem>>, vector<1024x64xf32>
    %get3A_159 = arith.constant 10 : index
    %get3A_160 = arith.constant 0 : index
    %get3A_161 = vector.load %arg0[%get3A_159, %get3A_160] : memref<11x64xf32, #tpu.memory_space<vmem>>, vector<1x64xf32>
    %get3A_162 = vector.shape_cast %get3A_161 : vector<1x64xf32> to vector<64xf32>
    %broadcast_in_dim3A_163 = vector.shape_cast %get3A_162 : vector<64xf32> to vector<1x64xf32>
    %add3A_164 = vector.broadcast %broadcast_in_dim3A_163 : vector<1x64xf32> to vector<1024x64xf32>
    %add3A_165 = arith.addf %get3A_158, %add3A_164 : vector<1024x64xf32>
    %swap3A_166 = arith.constant 10 : index
    %swap3A_167 = arith.constant 0 : index
    %swap3A_168 = arith.constant 0 : index
    %swap3A_169 = vector.load %arg2[%swap3A_166, %swap3A_167, %swap3A_168] : memref<11x1024x64xf32, #tpu.memory_space<vmem>>, vector<1x1024x64xf32>
    %swap3A_170 = vector.shape_cast %swap3A_169 : vector<1x1024x64xf32> to vector<1024x64xf32>
    %swap3A_171 = vector.shape_cast %add3A_165 : vector<1024x64xf32> to vector<1x1024x64xf32>
    tpu.vector_store %arg2[%swap3A_166, %swap3A_167, %swap3A_168], %swap3A_171 {strides = array<i32>} : memref<11x1024x64xf32, #tpu.memory_space<vmem>>, vector<1x1024x64xf32>,
    return
  }
}

</mosaic_0001>

<sc_bundles>
// kernel: kernel.4.cloned.1.call-start
scs
__scs_entry_jumppad:
0x0: {  	(pc) =	sbr.rel $0x88, $3  }
0x1: {  	(tag) =	ssettag $0x0;
	lr =	simm.s32 $0x1  }
0x2: {  	[smem:$0x3F9D] =	sst lr;
	_ =	strace $0xD0000000  }
0x3: {  	_ = 	snop  }
0x4: {  	_ = 	snop  }
0x5: {  	_ = 	snop  }
0x6: {  	_ = 	snop  }
0x7: {  	_ = 	snop  }
__scs_overlays_trampoline_lowered:
0x8: {  	[smem:$0x3FAC] =	sst s0  }
0x9: {  	[smem:$0x3FAD] =	sst s1  }
0xa: {  	[smem:$0x3FAE] =	sst s2  }
0xb: {  	[smem:$0x3FAF] =	sst s3  }
0xc: {  	[smem:$0x3FB0] =	sst s4  }
0xd: {  	[smem:$0x3FB1] =	sst s5  }
0xe: {  	[smem:$0x3FB2] =	sst s6  }
0xf: {  	[smem:$0x3FB3] =	sst s7  }
0x10: {  	[smem:$0x3FB4] =	sst s8  }
0x11: {  	[smem:$0x3FB5] =	sst s9;
	s0 =	simm.s32 @!p0 $0x0  }
0x12: {  	s1 =	sld [smem:$0x3F9B];
	s0 =	simm.s32 @p0 $0x1  }
0x13: {  	[smem:$0x3FB6] =	sst s0;
	s0 =	simm.s32 @!p1 $0x0  }
0x14: {  	s2 =	sld [smem:$0x3F9A];
	s0 =	simm.s32 @p1 $0x1  }
0x15: {  	[smem:$0x3FB7] =	sst s0;
	s0 =	simm.s32 @!p2 $0x0  }
0x16: {  	s3 =	sld [smem:$0x3FDB];
	s0 =	simm.s32 @p2 $0x1  }
0x17: {  	s4 =	simm.s32 $0x1BF5;
	[smem:$0x3FB9] =	sst s0  }
0x18: {  	s0 =	sld [smem:$0x3F9C];
	_ =	swait.ge [sflag:s4], $0x0  }
0x19: {  	s7 =	sld [smem:$0x3F9D]  }
0x1a: {  	s8 =	sadd.s32 $0xFFFFE003, lr  }
0x1b: {  	s9 =	sadd.s32 $0xFFFFFEF7, lr;
	s5 =	simm.s32 $0xFFFFFFFF;
	p2 =	slt.u32 s8, $0xFFFFF086  }
0x1c: {  	p1 =	slt.u32 s9, $0xF7A;
	s5 =	simm.s32 @!p2 $0x0  }
0x1d: {  	s5 =	simm.s32 @p1 $0x1;
	p0 =	seq.s32 s7, s2  }
0x1e: {  	s7 =	smul.u32 @!p0 $0xF7A, s2;
	p2 =	seq.s32 @!p0 s5, $0x0  }
0x1f: {  	s9 =	smul.u32 $0xF7A, s1;
	s8 =	simm.s32 @!p0 $0x1BF5;
	p2 =	por !p2, p0  }
0x20: {  	[sflag:s8] =	ssyncset.s32 @!p0 $0xFFFFF086;
	s6 =	sadd.s32 @!p0 s3, s7;
	s7 =	simm.s32 @!p0 $0x108  }
0x21: {  	s3 =	sadd.s32 s3, s9;
	s6 =	sadd.s32 @!p0 $0x88, s6;
	s7 =	simm.s32 @p2 $0x1082  }
0x22: {  	[simem:s7], [sflag:s8] =	dma.local @!p0 [hbm:s6], $0xF7A  }
0x23: {  	s9 =	sor.u32 $0xD0000000, s2;
	s6 =	simm.s32 $0x108;
	_ =	swait.ge @!p0 [sflag:s8], $0x0  }
0x24: {  	s3 =	sadd.s32 $0x88, s3;
	s6 =	simm.s32 @!p1 $0x1082;
	[sflag:s4] =	ssyncset.s32 $0xFFFFF086  }
0x25: {  	[simem:s6], [sflag:s4] =	dma.local [hbm:s3], $0xF7A  }
0x26: {  	[smem:$0x3F9D] =	sst s1;
	(tag) =	ssettag s2;
	_ =	strace s9  }
0x27: {  	s1 =	sld [smem:$0x3FAD]  }
0x28: {  	s2 =	sld [smem:$0x3FAE]  }
0x29: {  	s4 =	sld [smem:$0x3FB0]  }
0x2a: {  	p0 =	seq.s32 s5, $0x0;
	s5 =	sld [smem:$0x3FB1]  }
0x2b: {  	s6 =	sld [smem:$0x3FB2]  }
0x2c: {  	s7 =	sld [smem:$0x3FB3]  }
0x2d: {  	s3 =	simm.s32 $0x108;
	s8 =	sld [smem:$0x3FB4]  }
0x2e: {  	s3 =	simm.s32 @!p0 $0x1082;
	s9 =	sld [smem:$0x3FB5]  }
0x2f: {  	lr =	sadd.s32 s0, s3;
	s0 =	sld [smem:$0x3FAC]  }
0x30: {  	s3 =	sld [smem:$0x3FAF]  }
0x31: {  	[smem:$0x3FB8] =	sst s10  }
0x32: {  	s10 =	sld [smem:$0x3FB6];
	_ =	sdelay $0x3  }
0x33: {  	p0 =	seq.s32 s10, $0x1;
	s10 =	sld [smem:$0x3FB8];
	_ =	sdelay $0x3  }
0x34: {  	[smem:$0x3FB8] =	sst s10  }
0x35: {  	s10 =	sld [smem:$0x3FB7];
	_ =	sdelay $0x3  }
0x36: {  	p1 =	seq.s32 s10, $0x1;
	s10 =	sld [smem:$0x3FB8];
	_ =	sdelay $0x3  }
0x37: {  	[smem:$0x3FB8] =	sst s10  }
0x38: {  	s10 =	sld [smem:$0x3FB9]  }
0x39: {  	_ = 	snop;
	(pc) =	sbr.ind lr, $3  }
0x3a: {  	_ = 	snop  }
0x3b: {  	_ = 	snop  }
0x3c: {  	p2 =	seq.s32 s10, $0x1;
	s10 =	sld [smem:$0x3FB8]  }
0x3d: {  	_ =	shalt  }
0x3e: {  	_ =	shalt  }
0x3f: {  	_ =	shalt  }
0x40: {  	_ =	shalt  }
0x41: {  	_ =	shalt  }
0x42: {  	_ =	shalt  }
0x43: {  	_ =	shalt  }
0x44: {  	_ =	shalt  }
0x45: {  	_ =	shalt  }
0x46: {  	_ =	shalt  }
0x47: {  	_ =	shalt  }
0x48: {  	_ =	shalt  }
0x49: {  	_ =	shalt  }
0x4a: {  	_ =	shalt  }
0x4b: {  	_ =	shalt  }
0x4c: {  	_ =	shalt  }
0x4d: {  	_ =	shalt  }
0x4e: {  	_ =	shalt  }
0x4f: {  	_ =	shalt  }
0x50: {  	_ =	shalt  }
0x51: {  	_ =	shalt  }
0x52: {  	_ =	shalt  }
0x53: {  	_ =	shalt  }
0x54: {  	_ =	shalt  }
0x55: {  	_ =	shalt  }
0x56: {  	_ =	shalt  }
0x57: {  	_ =	shalt  }
0x58: {  	_ =	shalt  }
0x59: {  	_ =	shalt  }
0x5a: {  	_ =	shalt  }
0x5b: {  	_ =	shalt  }
0x5c: {  	_ =	shalt  }
0x5d: {  	_ =	shalt  }
0x5e: {  	_ =	shalt  }
0x5f: {  	_ =	shalt  }
0x60: {  	_ =	shalt  }
0x61: {  	_ =	shalt  }
0x62: {  	_ =	shalt  }
0x63: {  	_ =	shalt  }
0x64: {  	_ =	shalt  }
0x65: {  	_ =	shalt  }
0x66: {  	_ =	shalt  }
0x67: {  	_ =	shalt  }
0x68: {  	_ =	shalt  }
0x69: {  	_ =	shalt  }
0x6a: {  	_ =	shalt  }
0x6b: {  	_ =	shalt  }
0x6c: {  	_ =	shalt  }
0x6d: {  	_ =	shalt  }
0x6e: {  	_ =	shalt  }
0x6f: {  	_ =	shalt  }
0x70: {  	_ =	shalt  }
0x71: {  	_ =	shalt  }
0x72: {  	_ =	shalt  }
0x73: {  	_ =	shalt  }
0x74: {  	_ =	shalt  }
0x75: {  	_ =	shalt  }
0x76: {  	_ =	shalt  }
0x77: {  	_ =	shalt  }
0x78: {  	_ =	shalt  }
0x79: {  	_ =	shalt  }
0x7a: {  	_ =	shalt  }
0x7b: {  	_ =	shalt  }
0x7c: {  	_ =	shalt  }
0x7d: {  	_ =	shalt  }
0x7e: {  	_ =	shalt  }
0x7f: {  	_ =	shalt  }
0x80: {  	_ =	shalt  }
0x81: {  	_ =	shalt  }
0x82: {  	_ =	shalt  }
0x83: {  	_ =	shalt  }
0x84: {  	_ =	shalt  }
0x85: {  	_ =	shalt  }
0x86: {  	_ =	shalt  }
0x87: {  	_ =	shalt  }
.Lfunc_end0:
.L_simem_size_0:
called_computation.1_lowered:
.L_overlay_start_0:
0x88: {  	s2 =	sld [smem:$0x3FD9]  }
0x89: {  	s3 =	sld [smem:$0x3FFE];
	_ =	sdelay $0x1  }
0x8a: {  	s1 =	srdreg.scid  }
0x8b: {  	s0 =	sand.u32 $0x1, s1  }
0x8c: {  	s17 =	sshll.u32 s0, $0xA;
	s2 =	sadd.s32 s3, s2  }
0x8d: {  	s2 =	sadd.s32 s2, s17  }
0x8e: {  	[smem:$0x3FC4] =	sst s2  }
0x8f: {  	_ = 	snop  }
0x90: {  	s2 =	sld [smem:$0x3FD0];
	(tm) =	ssettm $0x1  }
0x91: {  	s18 =	sld [smem:$0x3FFB];
	_ =	sdelay $0x3  }
0x92: {  	_ =	strace s18  }
0x93: {  	s3 =	sld [smem:$0x3FFC];
	_ =	sdelay $0x3  }
0x94: {  	_ =	strace s3  }
0x95: {  	s3 =	sld [smem:$0x3FFD];
	_ =	sdelay $0x3  }
0x96: {  	_ =	strace s3  }
0x97: {  	_ =	strace $0x8FFFFFFF  }
0x98: {  	s19 =	sld [smem:$0x3FDB];
	_ =	sdelay $0x1  }
0x99: {  	s4 =	simm.s32 $_scs_section_size  }
0x9a: {  	s5 =	simm.s32 $_size__tile_overlayer_lowered;
	s6 =	simm.s32 $_tile_overlayer_lowered  }
0x9b: {  	s22 =	simm.s32 $0x1BFF;
	s21 =	sshll.u32 s6, $0x1;
	s3 =	sadd.s32 s4, s19  }
0x9c: {  	s7 =	simm.s32 $0x0;
	s20 =	sshll.u32 s5, $0x1;
	s5 =	sadd.s32 s21, s3  }
0x9d: {  	[timem:s7], [sflag:s22] =	dma.local [hbm:s5], s20  }
0x9e: {  	_ =	swait.ge [sflag:s22], s20  }
0x9f: {  	s4 =	ssub.s32 $0x0, s20;
	[sflag:s22] =	ssyncset.done $0x0  }
0xa0: {  	[sflag:s22] =	ssyncadd.s32 s4;
	_ =	sdelay $0x1  }
0xa1: {  	s23 =	simm.s32 $0x1B8B  }
0xa2: {  	_ =	swait.ge [sflag:s23], $0x1  }
0xa3: {  	[sflag:s23] =	ssyncset.done $0x0  }
0xa4: {  	s25 =	simm.s32 $0x1B8E;
	s24 =	sld [smem:$0x3FFE];
	[sflag:s23] =	ssyncadd.s32 $0xFFFFFFFF  }
0xa5: {  	s26 =	simm.s32 $execute0_lowered;
	[smem:$0x3FD2] =	sst s25  }
0xa6: {  	s5 =	sshll.u32 s26, $0x1;
	_ =	strace $0x80000046;
	[dreg:$0x1] =	wrdreg $0xFFFFFFFF  }
0xa7: {  	s28 =	simm.s32 $_size_execute0_lowered;
	s3 =	sadd.s32 s3, s5;
	[dreg:$0x0] =	wrdreg $0x0  }
0xa8: {  	s5 =	sshll.u32 s28, $0x1;
	[dreg:$0x2] =	wrdreg s3  }
0xa9: {  	[dreg:$0x3] =	wrdreg s5  }
0xaa: {  	[dreg:$0x4] =	wrdreg $0xC0  }
0xab: {  	_ =	task [dreg:s7], $0x5FFFF  }
0xac: {  	[dreg:$0x1] =	wrdreg $0xFFFFFFFF  }
0xad: {  	[dreg:$0x0] =	wrdreg $0x60  }
0xae: {  	[dreg:$0x2] =	wrdreg s24  }
0xaf: {  	[dreg:$0x3] =	wrdreg s2  }
0xb0: {  	[dreg:$0x4] =	wrdreg $0x10C800  }
0xb1: {  	[dreg:$0x5] =	wrdreg $0x9  }
0xb2: {  	_ =	task.clear_ibuf [dreg:s7], $0x6FFFF;
	_ =	strace $0x90000046  }
0xb3: {  	s29 =	simm.s32 $0x9;
	_ =	strace $0x80000048  }
0xb4: {  	_ =	swait.ge [sflag:s29], $0x1  }
0xb5: {  	[sflag:s29] =	ssyncadd.s32 $0xFFFFFFFF  }
0xb6: {  	_ =	strace $0x90000048  }
0xb7: {  	_ =	sfence  }
0xb8: {  	s30 =	sld [smem:$0x0];
	_ =	sdelay $0x2  }
0xb9: {  	s31 =	sshll.u32 s1, $0xD;
	s1 =	sshrl.u32 s1, $0x2  }
0xba: {  	s3 =	sand.u32 $0x4000, s31;
	s1 =	sadd.s32 s1, s30  }
0xbb: {  	s0 =	sor.u32 s3, s0;
	s1 =	sshll.u32 s1, $0x11  }
0xbc: {  	s0 =	sor.u32 s1, s0  }
0xbd: {  	s0 =	sadd.s32 $0x8F2B, s0  }
0xbe: {  	[sflag:s0] =	ssyncadd.remote.s32 $0x1  }
0xbf: {  	_ =	sfence.sel $0xFFFF  }
0xc0: {  	[dreg:$0x0] =	wrdreg $0xFFFFFFFF;
	(pc) =	sbr.abs _section_cstart, $3  }
0xc1: {  	[dreg:$0x1] =	wrdreg $0xFFFFFFFF  }
0xc2: {  	_ =	task.clear_ibuf [dreg:s7], $0x2FFFF;
	_ =	strace $0x9FFFFFFF  }
0xc3: {  	(tm) =	ssettm $0x7FFFFFFF  }
tec
execute0_lowered:
.L_overlay_start_1:
0x0: {  	(tag) =	ssettag $0x1  }
0x1: {  	s0 =	rddreg [dreg:$0x0]  }
0x2: {  	s9 =	rddreg [dreg:$0x1]  }
0x3: {  	s2 =	rddreg [dreg:$0x2]  }
0x4: {  	s3 =	simm.s32 $0x0;
	s23 =	srdreg.scid;
	s4 =	stileid.u32  }
0x5: {  	s15 =	simm.s32 $0x1;
	s16 =	simm.s32 $0x80;
	s28 =	simm.s32 $0xAC80  }
0x6: {  	s29 =	simm.s32 $0xB80;
	s30 =	simm.s32 $0xCC80;
	s31 =	simm.s32 $0xC00  }
0x7: {  	s14 =	simm.s32 $0xC80;
	[smem:$0x7FF] =	sst s3;
	s1 =	sadd.s32 $0x22A00, s0  }
0x8: {  	_ =	strace $0x80000047;
	[dreg:$0x4] =	wrdreg s1;
	s1 =	sand.u32 $0x1, s23  }
0x9: {  	s7 =	sshll.u32 s4, $0x6;
	s8 =	ssub.s32 $0x2, s1;
	s1 =	sshll.u32 s1, $0x5  }
0xa: {  	s5 =	sadd.s32 $0x2A00, s0;
	s6 =	sadd.s32 $0xA00, s0;
	s7 =	sor.u32 s1, s7  }
0xb: {  	p0 =	sne.s32 s4, $0x0;
	s10 =	sadd.s32 $0x1000, s9;
	s1 =	sshll.u32 s7, $0x7  }
0xc: {  	s24 =	sshrl.u32 s8, $0x1;
	s25 =	sshll.u32 s7, $0x3;
	s1 =	sadd.s32 s5, s1  }
0xd: {  	s0 =	ssub.s32 s8, s24;
	s26 =	sadd.s32 s6, s25;
	[dreg:$0x5] =	wrdreg s1  }
0xe: {  	s4 =	simm.s32 $0x2;
	s0 =	smax.u32 s0, $0x1;
	[dreg:$0x6] =	wrdreg s26  }
0xf: {  	v0 =	vlaneseq.u32;
	s9 =	simm.s32 $0x0;
	[dreg:$0x7] =	wrdreg s0;
	s0 =	sshrl.u32 @!p0 s2, $0x3  }
0x10: {  	v0 =	vor.u32 $0x400, v0;
	s25 =	simm.s32 $0x8C80;
	[dreg:$0x8] =	wrdreg s0;
	s0 =	simm.s32 $0xEC80  }
.LBB2_1:
0x11: {  	[dreg:$0x9] =	wrdreg s9  }
0x12: {  	s8 =	rddreg [dreg:$0x4]  }
0x13: {  	s1 =	simm.s32 @!p0 $0x1C06;
	s9 =	rddreg [dreg:$0x8]  }
0x14: {  	[spmem:s9], [sflag:s1] =	dma.local @!p0 [hbm:s8], $0x16000  }
0x15: {  	s1 =	simm.s32 @!p0 $0x6  }
0x16: {  	_ =	swait.ge @!p0 [sflag:s1], $0x16000  }
0x17: {  	[sflag:s1] =	ssyncset.done @!p0 $0x0  }
0x18: {  	[sflag:s1] =	ssyncadd.s32 @!p0 $0xFFFEA000  }
0x19: {  	[bflag:$0x0] =	sbarrier.arrive $0xFFFF  }
0x1a: {  	s23 =	simm.s32 $0x6;
	s22 =	rddreg [dreg:$0x5]  }
0x1b: {  	[tilespmem:s3], [sflag:$0x6] =	stream.linear.gather [hbm4b:s22+s3], $0x400, $0x38;
	[tilespmem:$0x1BC80] =	vst v63  }
0x1c: {  	_ =	swait.ge [sflag:s23], $0x400  }
0x1d: {  	[sflag:s23] =	ssyncset.done $0x0  }
0x1e: {  	s26 =	simm.s32 $0x800;
	s24 =	rddreg [dreg:$0x6];
	[sflag:s23] =	ssyncadd.s32 $0xFFFFFC00  }
0x1f: {  	[tilespmem:s26], [sflag:$0x6] =	stream.linear.gather [hbm4b:s24+s3], $0x40, $0x38;
	[tilespmem:$0x1BC80] =	vst v63  }
0x20: {  	_ =	swait.ge [sflag:s23], $0x40  }
0x21: {  	[sflag:s23] =	ssyncset.done $0x0  }
0x22: {  	p1 =	por $0x0, $0x0;
	s12 =	simm.s32 $0x0;
	[sflag:s23] =	ssyncadd.s32 $0xFFFFFFC0  }
.LBB2_2:
0x23: {  	s8 =	sor.u32 s7, s12  }
0x24: {  	p2 =	seq.s32 s12, $0x1F;
	s1 =	simm.s32 $0x1;
	s9 =	sadd.s32 $0x1, s12  }
0x25: {  	s11 =	sadd.s32 @!p2 $0x1, s8;
	s1 =	simm.s32 @!p1 $0x0;
	s17 =	sand.u32 @!p2 $0x1, s9  }
0x26: {  	s19 =	simm.s32 @!p2 $0x0;
	s13 =	sshll.u32 @!p2 s11, $0x7;
	s1 =	sshll.u32 s1, $0xA  }
0x27: {  	s18 =	sshll.u32 @!p2 s17, $0xA;
	s11 =	sshll.u32 @!p2 s11, $0x3;
	s13 =	sand.u32 @!p2 $0x1FFFFF80, s13;
	v1 =	vmov s1  }
0x28: {  	s1 =	sshll.u32 @!p2 s17, $0x6;
	s11 =	sand.u32 @!p2 $0x1FFFFFF8, s11;
	s13 =	sadd.s32 @!p2 s5, s13  }
0x29: {  	[tilespmem:s18], [sflag:$0x5] =	stream.linear.gather @!p2 [hbm4b:s13+s19], $0x400, $0x38;
	[tilespmem:$0x1BC80] =	vst v63  }
0x2a: {  	s21 =	simm.s32 $0x0;
	s1 =	sor.u32 @!p2 $0x800, s1;
	s11 =	sadd.s32 @!p2 s6, s11  }
0x2b: {  	[tilespmem:s1], [sflag:$0x5] =	stream.linear.gather @!p2 [hbm4b:s11+s19], $0x40, $0x38;
	[tilespmem:$0x1BC80] =	vst v63  }
0x2c: {  	v2 =	vld.idx.msk [tilespmem:v1+s21+$0x30 ss:$0x1], $0xffff  }
0x2d: {  	v3 =	vld.idx.msk [tilespmem:v1+s21+$0x0 ss:$0x1], $0xffff  }
0x2e: {  	v4 =	vld.idx.msk [tilespmem:v1+s21+$0x10 ss:$0x1], $0xffff;
	_ =	sdelay $0x1  }
0x2f: {  	v5 =	vld.idx.msk [tilespmem:v1+s21+$0x20 ss:$0x1], $0xffff;
	_ =	sdelay $0x1  }
0x30: {  	v6 =	vshra.s32 v2, $0x1F  }
0x31: {  	v7 =	vshra.s32 v3, $0x1F;
	v2 =	vor.u32 v6, v2;
	v6 =	vshra.s32 v4, $0x1F  }
0x32: {  	v3 =	vor.u32 v7, v3;
	vm0 =	vlt.s32 v2, $0x9;
	v4 =	vor.u32 v6, v4  }
0x33: {  	s22 =	simm.s32 $0x0;
	s17 =	simm.s32 $0x40;
	v6 =	vshra.s32 v5, $0x1F;
	v2 =	vnsel vm0, $0x9, v2;
	vm0 =	vlt.s32 v3, $0x9  }
0x34: {  	s1 =	sand.u32 $0xE00, s22;
	v7 =	vld.idx.msk [tilespmem:v1+s17+$0x30 ss:$0x1], $0xffff;
	v5 =	vor.u32 v6, v5;
	vm1 =	vlt.s32 v4, $0x9;
	v3 =	vnsel vm0, $0x9, v3  }
0x35: {  	s24 =	simm.s32 $0x0;
	s11 =	simm.s32 $0x30;
	s1 =	sshrl.u32 s1, $0x2;
	v6 =	vld.idx.msk [tilespmem:v1+s17+$0x0 ss:$0x1], $0xffff;
	v2 =	vshll.u32 v2, $0xA;
	vm2 =	vlt.s32 v5, $0x9;
	v3 =	vshll.u32 v3, $0xA  }
0x36: {  	s20 =	sand.u32 $0x40, s24;
	s23 =	sand.u32 $0x70, s11;
	s1 =	sadd.s32 $0x880, s1;
	v4 =	vnsel vm1, $0x9, v4;
	v8 =	vadd.s32 s11, v2;
	v2 =	vld.idx.msk [tilespmem:v1+s17+$0x10 ss:$0x1], $0xffff;
	v3 =	vadd.s32 s24, v3  }
0x37: {  	s26 =	simm.s32 $0x10;
	s13 =	sor.u32 s23, s1;
	s23 =	sor.u32 s20, s1;
	v4 =	vshll.u32 v4, $0xA;
	v5 =	vnsel vm2, $0x9, v5;
	v3 =	vadd.s32 v0, v3  }
0x38: {  	s22 =	simm.s32 $0x20;
	s21 =	sand.u32 $0x50, s26;
	v8 =	vadd.s32 v0, v8;
	v4 =	vadd.s32 s26, v4;
	v5 =	vshll.u32 v5, $0xA;
	[tilespmem:s23+$0x0] =	vst v3;
	v3 =	vld.idx.msk [tilespmem:v1+s17+$0x20 ss:$0x1], $0xffff  }
0x39: {  	s24 =	sand.u32 $0x60, s22;
	s26 =	sor.u32 s21, s1;
	[tilespmem:s13+$0x0] =	vst v8;
	v4 =	vadd.s32 v0, v4;
	v5 =	vadd.s32 s22, v5;
	v8 =	vshra.s32 v7, $0x1F  }
0x3a: {  	s18 =	simm.s32 $0x100;
	s19 =	sor.u32 s24, s1;
	v9 =	vadd.s32 v0, v5;
	v10 =	vshra.s32 v6, $0x1F;
	v5 =	vor.u32 v8, v7;
	[tilespmem:s26+$0x0] =	vst v4  }
0x3b: {  	s13 =	sand.u32 $0x1, s12;
	s1 =	simm.s32 $0x4;
	s17 =	simm.s32 $0x200;
	v4 =	vor.u32 v10, v6;
	vm0 =	vlt.s32 v5, $0x9;
	[tilespmem:s19+$0x0] =	vst v9;
	v6 =	vshra.s32 v2, $0x1F  }
.LBB2_3:
0x3c: {  	s19 =	sshra.s32 s17, $0x2;
	v6 =	vor.u32 v6, v2  }
0x3d: {  	s1 =	sadd.s32 $0x4, s1;
	s18 =	sand.u32 $0xE00, s18;
	v2 =	vshra.s32 v3, $0x1F;
	v5 =	vnsel vm0, $0x9, v5;
	vm0 =	vlt.s32 v4, $0x9;
	s11 =	sadd.s32 $0x40, s11  }
0x3e: {  	v7 =	vld.idx.msk [tilespmem:v1+s19+$0x30 ss:$0x1], $0xffff;
	p3 =	slt.u32 s1, $0x3C;
	s18 =	sshrl.u32 s18, $0x2;
	v8 =	vor.u32 v2, v3;
	v2 =	vshll.u32 v5, $0xA;
	s20 =	sadd.s32 $0xFFFFFFE0, s11;
	vm1 =	vlt.s32 v6, $0x9  }
0x3f: {  	s21 =	sand.u32 $0x70, s11;
	s22 =	sadd.s32 $0xFFFFFFD0, s11;
	v9 =	vld.idx.msk [tilespmem:v1+s19+$0x0 ss:$0x1], $0xffff;
	s18 =	sadd.s32 $0x880, s18;
	vm2 =	vlt.s32 v8, $0x9;
	v3 =	vadd.s32 s11, v2;
	v5 =	vnsel vm1, $0x9, v6  }
0x40: {  	v4 =	vnsel vm0, $0x9, v4;
	s23 =	sadd.s32 $0xFFFFFFF0, s11;
	s24 =	sand.u32 $0x50, s20;
	v2 =	vld.idx.msk [tilespmem:v1+s19+$0x10 ss:$0x1], $0xffff;
	v6 =	vadd.s32 v0, v3;
	s21 =	sor.u32 s21, s18;
	v5 =	vshll.u32 v5, $0xA  }
0x41: {  	v4 =	vshll.u32 v4, $0xA;
	s26 =	sand.u32 $0x60, s23;
	v8 =	vnsel vm2, $0x9, v8;
	v3 =	vld.idx.msk [tilespmem:v1+s19+$0x20 ss:$0x1], $0xffff;
	s19 =	sand.u32 $0x40, s22;
	[tilespmem:s21+$0x0] =	vst v6;
	v5 =	vadd.s32 s20, v5;
	s20 =	sor.u32 s24, s18  }
.Ltmp0:
0x42: {  	v4 =	vadd.s32 s22, v4;
	v6 =	vshll.u32 v8, $0xA;
	s21 =	sor.u32 s26, s18;
	s19 =	sor.u32 s19, s18;
	(pc) =	sbr.rel @p3 .LBB2_3-.Ltmp0, $4  }
0x43: {  	v4 =	vadd.s32 v0, v4;
	v8 =	vadd.s32 v0, v5;
	v5 =	vadd.s32 s23, v6;
	s18 =	smov.u32 s17  }
0x44: {  	v6 =	vshra.s32 v7, $0x1F;
	v10 =	vadd.s32 v0, v5;
	[tilespmem:s19+$0x0] =	vst v4  }
0x45: {  	v4 =	vshra.s32 v9, $0x1F;
	v5 =	vor.u32 v6, v7;
	[tilespmem:s20+$0x0] =	vst v8  }
0x46: {  	s17 =	sadd.s32 $0x100, s17;
	v4 =	vor.u32 v4, v9;
	v6 =	vshra.s32 v2, $0x1F;
	vm0 =	vlt.s32 v5, $0x9;
	[tilespmem:s21+$0x0] =	vst v10  }
0x47: {  	v1 =	vor.u32 v6, v2  }
0x48: {  	v2 =	vshra.s32 v3, $0x1F;
	v5 =	vnsel vm0, $0x9, v5;
	vm15 =	vlt.s32 v4, $0x9  }
0x49: {  	s1 =	sand.u32 $0xE00, s18;
	s11 =	sadd.s32 $0x40, s11;
	v2 =	vor.u32 v2, v3;
	v3 =	vshll.u32 v5, $0xA;
	vm1 =	vlt.s32 v1, $0x9  }
0x4a: {  	s1 =	sshrl.u32 s1, $0x2;
	v4 =	vnsel vm15, $0x9, v4;
	vm2 =	vlt.s32 v2, $0x9;
	v3 =	vadd.s32 s11, v3  }
0x4b: {  	s17 =	sand.u32 $0x70, s11;
	s24 =	sadd.s32 $0xFFFFFFD0, s11;
	s1 =	sadd.s32 $0x880, s1;
	v1 =	vnsel vm1, $0x9, v1;
	v4 =	vshll.u32 v4, $0xA;
	v3 =	vadd.s32 v0, v3  }
0x4c: {  	s19 =	sadd.s32 $0xFFFFFFE0, s11;
	s18 =	sand.u32 $0x40, s24;
	s17 =	sor.u32 s17, s1;
	v4 =	vadd.s32 s24, v4;
	v1 =	vshll.u32 v1, $0xA;
	v2 =	vnsel vm2, $0x9, v2  }
0x4d: {  	s11 =	sadd.s32 $0xFFFFFFF0, s11;
	s26 =	sand.u32 $0x50, s19;
	s18 =	sor.u32 s18, s1;
	[tilespmem:s17+$0x0] =	vst v3;
	v1 =	vadd.s32 s19, v1;
	v2 =	vshll.u32 v2, $0xA;
	v3 =	vadd.s32 v0, v4  }
0x4e: {  	s17 =	sor.u32 s26, s1;
	[tilespmem:s18+$0x0] =	vst v3;
	v2 =	vadd.s32 s11, v2;
	s11 =	sand.u32 $0x60, s11;
	v1 =	vadd.s32 v0, v1  }
0x4f: {  	p3 =	seq.s32 s12, $0x0;
	s1 =	sor.u32 s11, s1;
	[tilespmem:s17+$0x0] =	vst v1;
	v1 =	vadd.s32 v0, v2  }
0x50: {  	[tilespmem:s1+$0x0] =	vst v1;
	s1 =	simm.s32 @!p3 $0x3  }
0x51: {  	_ =	swait.ge @!p3 [sflag:s1], $0x8000  }
0x52: {  	[sflag:s1] =	ssyncset.done @!p3 $0x0  }
0x53: {  	[sflag:s1] =	ssyncadd.s32 @!p3 $0xFFFF8000;
	s1 =	simm.s32 @!p3 $0x4  }
0x54: {  	_ =	swait.ge @!p3 [sflag:s1], $0x8000  }
0x55: {  	[sflag:s1] =	ssyncset.done @!p3 $0x0  }
0x56: {  	s12 =	simm.s32 $0xC80;
	s11 =	simm.s32 $0x880;
	[sflag:s1] =	ssyncadd.s32 @!p3 $0xFFFF8000  }
0x57: {  	[tilespmem:s12], [sflag:$0x1] =	stream.indirect.gather [spmem:s2], $0x40, s11, s16, $0xb8;
	[tilespmem:$0x1BC80] =	vst v63  }
0x58: {  	s18 =	simm.s32 $0x2C80;
	s17 =	simm.s32 $0x900  }
0x59: {  	[tilespmem:s18], [sflag:$0x1] =	stream.indirect.gather [spmem:s2], $0x40, s17, s16, $0xb8;
	[tilespmem:$0x1BC80] =	vst v63  }
0x5a: {  	s20 =	simm.s32 $0x4C80;
	s19 =	simm.s32 $0x980  }
0x5b: {  	[tilespmem:s20], [sflag:$0x1] =	stream.indirect.gather [spmem:s2], $0x40, s19, s16, $0xb8;
	[tilespmem:$0x1BC80] =	vst v63  }
0x5c: {  	s21 =	simm.s32 $0xA00;
	s22 =	simm.s32 $0x6C80  }
0x5d: {  	[tilespmem:s22], [sflag:$0x1] =	stream.indirect.gather [spmem:s2], $0x40, s21, s16, $0xb8;
	[tilespmem:$0x1BC80] =	vst v63  }
0x5e: {  	s23 =	simm.s32 $0xA80  }
0x5f: {  	[tilespmem:s25], [sflag:$0x2] =	stream.indirect.gather [spmem:s2], $0x40, s23, s16, $0xb8;
	[tilespmem:$0x1BC80] =	vst v63  }
0x60: {  	s24 =	simm.s32 $0xB00  }
0x61: {  	[tilespmem:s28], [sflag:$0x2] =	stream.indirect.gather [spmem:s2], $0x40, s24, s16, $0xb8;
	[tilespmem:$0x1BC80] =	vst v63  }
0x62: {  	_ = 	snop  }
0x63: {  	[tilespmem:s30], [sflag:$0x2] =	stream.indirect.gather [spmem:s2], $0x40, s29, s16, $0xb8;
	[tilespmem:$0x1BC80] =	vst v63  }
0x64: {  	s26 =	sshll.u32 s13, $0x6  }
0x65: {  	[tilespmem:s0], [sflag:$0x2] =	stream.indirect.gather [spmem:s2], $0x40, s31, s16, $0xb8;
	[tilespmem:$0x1BC80] =	vst v63  }
0x66: {  	v2 =	vld [tilespmem:s26+$0x800]  }
0x67: {  	v1 =	vld [tilespmem:s26+$0x810]  }
0x68: {  	v3 =	vld [tilespmem:s26+$0x820]  }
0x69: {  	v4 =	vld [tilespmem:s26+$0x830];
	_ =	swait.ge [sflag:s15], $0x2000  }
0x6a: {  	[sflag:s15] =	ssyncset.done $0x0  }
0x6b: {  	[sflag:s15] =	ssyncadd.s32 $0xFFFFE000  }
0x6c: {  	_ =	swait.ge [sflag:s15], $0x2000  }
0x6d: {  	[sflag:s15] =	ssyncset.done $0x0  }
0x6e: {  	[sflag:s15] =	ssyncadd.s32 $0xFFFFE000  }
0x6f: {  	_ =	swait.ge [sflag:s15], $0x2000  }
0x70: {  	[sflag:s15] =	ssyncset.done $0x0  }
0x71: {  	[sflag:s15] =	ssyncadd.s32 $0xFFFFE000  }
0x72: {  	_ =	swait.ge [sflag:s15], $0x2000  }
0x73: {  	[sflag:s15] =	ssyncset.done $0x0  }
0x74: {  	[sflag:s15] =	ssyncadd.s32 $0xFFFFE000  }
0x75: {  	[tilespmem:s12+$0x0] =	vst.add.f32.msk $0xffff, v2  }
0x76: {  	[tilespmem:s12+$0x1F0] =	vst.add.f32.msk $0xffff, v4  }
0x77: {  	[tilespmem:s12+$0x1E0] =	vst.add.f32.msk $0xffff, v3  }
0x78: {  	[tilespmem:s12+$0x1D0] =	vst.add.f32.msk $0xffff, v1  }
0x79: {  	[tilespmem:s12+$0x1C0] =	vst.add.f32.msk $0xffff, v2  }
0x7a: {  	[tilespmem:s12+$0x1B0] =	vst.add.f32.msk $0xffff, v4  }
0x7b: {  	[tilespmem:s12+$0x1A0] =	vst.add.f32.msk $0xffff, v3  }
0x7c: {  	[tilespmem:s12+$0x190] =	vst.add.f32.msk $0xffff, v1  }
0x7d: {  	[tilespmem:s12+$0x180] =	vst.add.f32.msk $0xffff, v2  }
0x7e: {  	[tilespmem:s12+$0x170] =	vst.add.f32.msk $0xffff, v4  }
0x7f: {  	[tilespmem:s12+$0x160] =	vst.add.f32.msk $0xffff, v3  }
0x80: {  	[tilespmem:s12+$0x150] =	vst.add.f32.msk $0xffff, v1  }
0x81: {  	[tilespmem:s12+$0x140] =	vst.add.f32.msk $0xffff, v2  }
0x82: {  	[tilespmem:s12+$0x130] =	vst.add.f32.msk $0xffff, v4  }
0x83: {  	[tilespmem:s12+$0x120] =	vst.add.f32.msk $0xffff, v3  }
0x84: {  	[tilespmem:s12+$0x110] =	vst.add.f32.msk $0xffff, v1  }
0x85: {  	[tilespmem:s12+$0x100] =	vst.add.f32.msk $0xffff, v2  }
0x86: {  	[tilespmem:s12+$0xF0] =	vst.add.f32.msk $0xffff, v4  }
0x87: {  	[tilespmem:s12+$0xE0] =	vst.add.f32.msk $0xffff, v3  }
0x88: {  	[tilespmem:s12+$0xD0] =	vst.add.f32.msk $0xffff, v1  }
0x89: {  	[tilespmem:s12+$0xC0] =	vst.add.f32.msk $0xffff, v2  }
0x8a: {  	[tilespmem:s12+$0xB0] =	vst.add.f32.msk $0xffff, v4  }
0x8b: {  	[tilespmem:s12+$0xA0] =	vst.add.f32.msk $0xffff, v3  }
0x8c: {  	[tilespmem:s12+$0x90] =	vst.add.f32.msk $0xffff, v1  }
0x8d: {  	[tilespmem:s12+$0x80] =	vst.add.f32.msk $0xffff, v2  }
0x8e: {  	[tilespmem:s12+$0x70] =	vst.add.f32.msk $0xffff, v4  }
0x8f: {  	[tilespmem:s12+$0x60] =	vst.add.f32.msk $0xffff, v3  }
0x90: {  	[tilespmem:s12+$0x50] =	vst.add.f32.msk $0xffff, v1  }
0x91: {  	[tilespmem:s12+$0x40] =	vst.add.f32.msk $0xffff, v2  }
0x92: {  	[tilespmem:s12+$0x30] =	vst.add.f32.msk $0xffff, v4  }
0x93: {  	s1 =	simm.s32 $0x0;
	[tilespmem:s12+$0x20] =	vst.add.f32.msk $0xffff, v3  }
.LBB2_5:
0x94: {  	s1 =	sadd.s32 $0x8, s1;
	[tilespmem:s12+$0x10] =	vst.add.f32.msk $0xffff, v1;
	s12 =	sadd.s32 $0x200, s12  }
0x95: {  	[tilespmem:s12+$0x0] =	vst.add.f32.msk $0xffff, v2;
	p3 =	slt.u32 s1, $0x1F8  }
0x96: {  	[tilespmem:s12+$0x1F0] =	vst.add.f32.msk $0xffff, v4  }
0x97: {  	[tilespmem:s12+$0x1E0] =	vst.add.f32.msk $0xffff, v3  }
0x98: {  	[tilespmem:s12+$0x1D0] =	vst.add.f32.msk $0xffff, v1  }
0x99: {  	[tilespmem:s12+$0x1C0] =	vst.add.f32.msk $0xffff, v2  }
0x9a: {  	[tilespmem:s12+$0x1B0] =	vst.add.f32.msk $0xffff, v4  }
0x9b: {  	[tilespmem:s12+$0x1A0] =	vst.add.f32.msk $0xffff, v3  }
0x9c: {  	[tilespmem:s12+$0x190] =	vst.add.f32.msk $0xffff, v1  }
0x9d: {  	[tilespmem:s12+$0x180] =	vst.add.f32.msk $0xffff, v2  }
0x9e: {  	[tilespmem:s12+$0x170] =	vst.add.f32.msk $0xffff, v4  }
0x9f: {  	[tilespmem:s12+$0x160] =	vst.add.f32.msk $0xffff, v3  }
0xa0: {  	[tilespmem:s12+$0x150] =	vst.add.f32.msk $0xffff, v1  }
0xa1: {  	[tilespmem:s12+$0x140] =	vst.add.f32.msk $0xffff, v2  }
0xa2: {  	[tilespmem:s12+$0x130] =	vst.add.f32.msk $0xffff, v4  }
0xa3: {  	[tilespmem:s12+$0x120] =	vst.add.f32.msk $0xffff, v3  }
0xa4: {  	[tilespmem:s12+$0x110] =	vst.add.f32.msk $0xffff, v1  }
0xa5: {  	[tilespmem:s12+$0x100] =	vst.add.f32.msk $0xffff, v2  }
0xa6: {  	[tilespmem:s12+$0xF0] =	vst.add.f32.msk $0xffff, v4  }
0xa7: {  	[tilespmem:s12+$0xE0] =	vst.add.f32.msk $0xffff, v3  }
0xa8: {  	[tilespmem:s12+$0xD0] =	vst.add.f32.msk $0xffff, v1  }
0xa9: {  	[tilespmem:s12+$0xC0] =	vst.add.f32.msk $0xffff, v2  }
0xaa: {  	[tilespmem:s12+$0xB0] =	vst.add.f32.msk $0xffff, v4  }
0xab: {  	[tilespmem:s12+$0xA0] =	vst.add.f32.msk $0xffff, v3  }
0xac: {  	[tilespmem:s12+$0x90] =	vst.add.f32.msk $0xffff, v1  }
0xad: {  	[tilespmem:s12+$0x80] =	vst.add.f32.msk $0xffff, v2  }
0xae: {  	[tilespmem:s12+$0x70] =	vst.add.f32.msk $0xffff, v4  }
.Ltmp1:
0xaf: {  	[tilespmem:s12+$0x60] =	vst.add.f32.msk $0xffff, v3;
	(pc) =	sbr.rel @p3 .LBB2_5-.Ltmp1, $4  }
0xb0: {  	[tilespmem:s12+$0x50] =	vst.add.f32.msk $0xffff, v1  }
0xb1: {  	[tilespmem:s12+$0x40] =	vst.add.f32.msk $0xffff, v2  }
0xb2: {  	[tilespmem:s12+$0x30] =	vst.add.f32.msk $0xffff, v4  }
0xb3: {  	[tilespmem:s12+$0x20] =	vst.add.f32.msk $0xffff, v3  }
0xb4: {  	s8 =	sshll.u32 s8, $0xD;
	s1 =	rddreg [dreg:$0x1]  }
0xb5: {  	[tilespmem:s12+$0x10] =	vst.add.f32.msk $0xffff, v1;
	s1 =	sadd.s32 s1, s8  }
0xb6: {  	[hbm4b:s1+s3] =	stream.linear.scatter [tilespmem:s14], [sflag:$0x3], $0x8000, $0x38;
	[tilespmem:$0x1BC80] =	vst v63  }
0xb7: {  	_ =	swait.ge [sflag:s4], $0x2000  }
0xb8: {  	[sflag:s4] =	ssyncset.done $0x0  }
0xb9: {  	[sflag:s4] =	ssyncadd.s32 $0xFFFFE000  }
0xba: {  	_ =	swait.ge [sflag:s4], $0x2000  }
0xbb: {  	[sflag:s4] =	ssyncset.done $0x0  }
0xbc: {  	[sflag:s4] =	ssyncadd.s32 $0xFFFFE000  }
0xbd: {  	_ =	swait.ge [sflag:s4], $0x2000  }
0xbe: {  	[sflag:s4] =	ssyncset.done $0x0  }
0xbf: {  	[sflag:s4] =	ssyncadd.s32 $0xFFFFE000  }
0xc0: {  	_ =	swait.ge [sflag:s4], $0x2000  }
0xc1: {  	[sflag:s4] =	ssyncset.done $0x0  }
0xc2: {  	s11 =	simm.s32 $0x8C80;
	[sflag:s4] =	ssyncadd.s32 $0xFFFFE000  }
0xc3: {  	[tilespmem:s11+$0x0] =	vst.add.f32.msk $0xffff, v2  }
0xc4: {  	[tilespmem:s11+$0x1F0] =	vst.add.f32.msk $0xffff, v4  }
0xc5: {  	[tilespmem:s11+$0x1E0] =	vst.add.f32.msk $0xffff, v3  }
0xc6: {  	[tilespmem:s11+$0x1D0] =	vst.add.f32.msk $0xffff, v1  }
0xc7: {  	[tilespmem:s11+$0x1C0] =	vst.add.f32.msk $0xffff, v2  }
0xc8: {  	[tilespmem:s11+$0x1B0] =	vst.add.f32.msk $0xffff, v4  }
0xc9: {  	[tilespmem:s11+$0x1A0] =	vst.add.f32.msk $0xffff, v3  }
0xca: {  	[tilespmem:s11+$0x190] =	vst.add.f32.msk $0xffff, v1  }
0xcb: {  	[tilespmem:s11+$0x180] =	vst.add.f32.msk $0xffff, v2  }
0xcc: {  	[tilespmem:s11+$0x170] =	vst.add.f32.msk $0xffff, v4  }
0xcd: {  	[tilespmem:s11+$0x160] =	vst.add.f32.msk $0xffff, v3  }
0xce: {  	[tilespmem:s11+$0x150] =	vst.add.f32.msk $0xffff, v1  }
0xcf: {  	[tilespmem:s11+$0x140] =	vst.add.f32.msk $0xffff, v2  }
0xd0: {  	[tilespmem:s11+$0x130] =	vst.add.f32.msk $0xffff, v4  }
0xd1: {  	[tilespmem:s11+$0x120] =	vst.add.f32.msk $0xffff, v3  }
0xd2: {  	[tilespmem:s11+$0x110] =	vst.add.f32.msk $0xffff, v1  }
0xd3: {  	[tilespmem:s11+$0x100] =	vst.add.f32.msk $0xffff, v2  }
0xd4: {  	[tilespmem:s11+$0xF0] =	vst.add.f32.msk $0xffff, v4  }
0xd5: {  	[tilespmem:s11+$0xE0] =	vst.add.f32.msk $0xffff, v3  }
0xd6: {  	[tilespmem:s11+$0xD0] =	vst.add.f32.msk $0xffff, v1  }
0xd7: {  	[tilespmem:s11+$0xC0] =	vst.add.f32.msk $0xffff, v2  }
0xd8: {  	[tilespmem:s11+$0xB0] =	vst.add.f32.msk $0xffff, v4  }
0xd9: {  	[tilespmem:s11+$0xA0] =	vst.add.f32.msk $0xffff, v3  }
0xda: {  	[tilespmem:s11+$0x90] =	vst.add.f32.msk $0xffff, v1  }
0xdb: {  	[tilespmem:s11+$0x80] =	vst.add.f32.msk $0xffff, v2  }
0xdc: {  	[tilespmem:s11+$0x70] =	vst.add.f32.msk $0xffff, v4  }
0xdd: {  	[tilespmem:s11+$0x60] =	vst.add.f32.msk $0xffff, v3  }
0xde: {  	[tilespmem:s11+$0x50] =	vst.add.f32.msk $0xffff, v1  }
0xdf: {  	[tilespmem:s11+$0x40] =	vst.add.f32.msk $0xffff, v2  }
0xe0: {  	[tilespmem:s11+$0x30] =	vst.add.f32.msk $0xffff, v4  }
0xe1: {  	s1 =	simm.s32 $0x0;
	[tilespmem:s11+$0x20] =	vst.add.f32.msk $0xffff, v3  }
.LBB2_7:
0xe2: {  	s1 =	sadd.s32 $0x8, s1;
	[tilespmem:s11+$0x10] =	vst.add.f32.msk $0xffff, v1;
	s11 =	sadd.s32 $0x200, s11  }
0xe3: {  	[tilespmem:s11+$0x0] =	vst.add.f32.msk $0xffff, v2;
	p3 =	slt.u32 s1, $0x1F8  }
0xe4: {  	[tilespmem:s11+$0x1F0] =	vst.add.f32.msk $0xffff, v4  }
0xe5: {  	[tilespmem:s11+$0x1E0] =	vst.add.f32.msk $0xffff, v3  }
0xe6: {  	[tilespmem:s11+$0x1D0] =	vst.add.f32.msk $0xffff, v1  }
0xe7: {  	[tilespmem:s11+$0x1C0] =	vst.add.f32.msk $0xffff, v2  }
0xe8: {  	[tilespmem:s11+$0x1B0] =	vst.add.f32.msk $0xffff, v4  }
0xe9: {  	[tilespmem:s11+$0x1A0] =	vst.add.f32.msk $0xffff, v3  }
0xea: {  	[tilespmem:s11+$0x190] =	vst.add.f32.msk $0xffff, v1  }
0xeb: {  	[tilespmem:s11+$0x180] =	vst.add.f32.msk $0xffff, v2  }
0xec: {  	[tilespmem:s11+$0x170] =	vst.add.f32.msk $0xffff, v4  }
0xed: {  	[tilespmem:s11+$0x160] =	vst.add.f32.msk $0xffff, v3  }
0xee: {  	[tilespmem:s11+$0x150] =	vst.add.f32.msk $0xffff, v1  }
0xef: {  	[tilespmem:s11+$0x140] =	vst.add.f32.msk $0xffff, v2  }
0xf0: {  	[tilespmem:s11+$0x130] =	vst.add.f32.msk $0xffff, v4  }
0xf1: {  	[tilespmem:s11+$0x120] =	vst.add.f32.msk $0xffff, v3  }
0xf2: {  	[tilespmem:s11+$0x110] =	vst.add.f32.msk $0xffff, v1  }
0xf3: {  	[tilespmem:s11+$0x100] =	vst.add.f32.msk $0xffff, v2  }
0xf4: {  	[tilespmem:s11+$0xF0] =	vst.add.f32.msk $0xffff, v4  }
0xf5: {  	[tilespmem:s11+$0xE0] =	vst.add.f32.msk $0xffff, v3  }
0xf6: {  	[tilespmem:s11+$0xD0] =	vst.add.f32.msk $0xffff, v1  }
0xf7: {  	[tilespmem:s11+$0xC0] =	vst.add.f32.msk $0xffff, v2  }
0xf8: {  	[tilespmem:s11+$0xB0] =	vst.add.f32.msk $0xffff, v4  }
0xf9: {  	[tilespmem:s11+$0xA0] =	vst.add.f32.msk $0xffff, v3  }
0xfa: {  	[tilespmem:s11+$0x90] =	vst.add.f32.msk $0xffff, v1  }
0xfb: {  	[tilespmem:s11+$0x80] =	vst.add.f32.msk $0xffff, v2  }
0xfc: {  	[tilespmem:s11+$0x70] =	vst.add.f32.msk $0xffff, v4  }
.Ltmp2:
0xfd: {  	[tilespmem:s11+$0x60] =	vst.add.f32.msk $0xffff, v3;
	(pc) =	sbr.rel @p3 .LBB2_7-.Ltmp2, $4  }
0xfe: {  	[tilespmem:s11+$0x50] =	vst.add.f32.msk $0xffff, v1  }
0xff: {  	[tilespmem:s11+$0x40] =	vst.add.f32.msk $0xffff, v2  }
0x100: {  	[tilespmem:s11+$0x30] =	vst.add.f32.msk $0xffff, v4  }
0x101: {  	[tilespmem:s11+$0x20] =	vst.add.f32.msk $0xffff, v3  }
0x102: {  	[tilespmem:s11+$0x10] =	vst.add.f32.msk $0xffff, v1;
	s1 =	sadd.s32 s8, s10  }
0x103: {  	[hbm4b:s1+s3] =	stream.linear.scatter [tilespmem:s25], [sflag:$0x4], $0x8000, $0x38;
	[tilespmem:$0x1BC80] =	vst v63  }
0x104: {  	p3 =	sne.s32 @!p2 s9, $0x20;
	s1 =	simm.s32 @!p2 $0x5  }
0x105: {  	p3 =	por p2, !p3;
	_ =	swait.ge @!p2 [sflag:s1], $0x400  }
.Ltmp3:
0x106: {  	[sflag:s1] =	ssyncset.done @!p2 $0x0;
	(pc) =	sbr.rel @!p3 .LBB2_2-.Ltmp3, $4  }
0x107: {  	[sflag:s1] =	ssyncadd.s32 @!p2 $0xFFFFFC00  }
0x108: {  	_ =	swait.ge @!p2 [sflag:s1], $0x40  }
0x109: {  	[sflag:s1] =	ssyncset.done @!p2 $0x0  }
0x10a: {  	p1 =	por @!p2 !p1, !p1;
	s12 =	smov.u32 s9;
	[sflag:s1] =	ssyncadd.s32 @!p2 $0xFFFFFFC0  }
0x10b: {  	s1 =	simm.s32 $0x3  }
0x10c: {  	_ =	swait.ge [sflag:s1], $0x8000  }
0x10d: {  	[sflag:s1] =	ssyncset.done $0x0  }
0x10e: {  	s8 =	simm.s32 $0x4;
	[sflag:s1] =	ssyncadd.s32 $0xFFFF8000  }
0x10f: {  	_ =	swait.ge [sflag:s8], $0x8000  }
0x110: {  	s9 =	rddreg [dreg:$0x9]  }
0x111: {  	s26 =	rddreg [dreg:$0x7];
	s9 =	sadd.s32 $0x1, s9  }
0x112: {  	p1 =	sne.s32 s9, s26  }
.Ltmp4:
0x113: {  	_ = 	snop;
	(pc) =	sbr.rel @p1 .LBB2_1-.Ltmp4, $3  }
0x114: {  	_ =	sdelay $0x1  }
0x115: {  	[sflag:s8] =	ssyncset.done $0x0  }
0x116: {  	[sflag:s8] =	ssyncadd.s32 $0xFFFF8000  }
0x117: {  	_ =	sfence.sel $0x180000  }
0x118: {  	[bflag:$0x0] =	sbarrier.arrive $0xFFFF  }
0x119: {  	_ =	strace $0x90000047  }
0x11a: {  	[bflag:$0x2] =	sbarrier.arrive $0xFFFF  }
0x11b: {  	s0 =	rddreg [dreg:$0x3]  }
0x11c: {  	s0 =	sadd.s32 @!p0 $0x100000, s0  }
0x11d: {  	[sflag:s0] =	ssyncadd.tile.s32 @!p0 $0x1;
	_ =	shalt  }
.Lfunc_end2:
_tile_overlayer_lowered:
.L_overlay_start_2:
0x11e: {  	(tag) =	ssettag $0x2  }
0x11f: {  	s0 =	rddreg [dreg:$0x0];
	s2 =	stileid.u32  }
0x120: {  	s1 =	rddreg [dreg:$0x1];
	p0 =	sne.s32 s2, $0x0  }
0x121: {  	s3 =	rddreg [dreg:$0x2];
	[bflag:$0x3] =	sbarrier.arrive $0xFFFF;
	s2 =	simm.s32 @!p0 $0x1C06  }
0x122: {  	[timem:s3], [sflag:s2] =	dma.local @!p0 [hbm:s0], s1  }
0x123: {  	s0 =	simm.s32 @!p0 $0x6  }
0x124: {  	_ =	swait.ge @!p0 [sflag:s0], s1  }
0x125: {  	s1 =	ssub.s32 @!p0 $0x0, s1;
	[sflag:s0] =	ssyncset.done @!p0 $0x0  }
0x126: {  	[sflag:s0] =	ssyncadd.s32 @!p0 s1  }
0x127: {  	[bflag:$0x3] =	sbarrier.arrive $0xFFFF  }
0x128: {  	_ =	shalt  }

// kernel: sparse-core-data-format-call.cloned.1.call-start
scs
called_computation_lowered:
.L_overlay_start_0:
0x0: {  	s2 =	sld [smem:$0x3FD9]  }
0x1: {  	s3 =	sld [smem:$0x3FFE];
	_ =	sdelay $0x1  }
0x2: {  	s1 =	srdreg.scid  }
0x3: {  	s0 =	sand.u32 $0x1, s1  }
0x4: {  	s18 =	sshll.u32 s0, $0xA;
	s2 =	sadd.s32 s3, s2  }
0x5: {  	s2 =	sadd.s32 s2, s18  }
0x6: {  	[smem:$0x3FC4] =	sst s2  }
0x7: {  	_ = 	snop  }
0x8: {  	s2 =	sld [smem:$0x3FD0];
	(tm) =	ssettm $0x1  }
0x9: {  	s19 =	sld [smem:$0x3FFB];
	_ =	sdelay $0x3  }
0xa: {  	_ =	strace s19  }
0xb: {  	s3 =	sld [smem:$0x3FFC];
	_ =	sdelay $0x3  }
0xc: {  	_ =	strace s3  }
0xd: {  	s3 =	sld [smem:$0x3FFD];
	_ =	sdelay $0x3  }
0xe: {  	_ =	strace s3  }
0xf: {  	_ =	strace $0x8FFFFFFF  }
0x10: {  	s20 =	sld [smem:$0x3FDB];
	_ =	sdelay $0x1  }
0x11: {  	s4 =	simm.s32 $_scs_section_size  }
0x12: {  	s5 =	simm.s32 $_size__tile_overlayer_lowered;
	s6 =	simm.s32 $_tile_overlayer_lowered  }
0x13: {  	s23 =	simm.s32 $0x1BFF;
	s22 =	sshll.u32 s6, $0x1;
	s3 =	sadd.s32 s4, s20  }
0x14: {  	s7 =	simm.s32 $0x0;
	s21 =	sshll.u32 s5, $0x1;
	s5 =	sadd.s32 s22, s3  }
0x15: {  	[timem:s7], [sflag:s23] =	dma.local [hbm:s5], s21  }
0x16: {  	_ =	swait.ge [sflag:s23], s21  }
0x17: {  	s4 =	ssub.s32 $0x0, s21;
	[sflag:s23] =	ssyncset.done $0x0  }
0x18: {  	[sflag:s23] =	ssyncadd.s32 s4;
	_ =	sdelay $0x1  }
0x19: {  	s24 =	simm.s32 $0x1B8B  }
0x1a: {  	_ =	swait.ge [sflag:s24], $0x1  }
0x1b: {  	[sflag:s24] =	ssyncset.done $0x0  }
0x1c: {  	s26 =	simm.s32 $0x1B8E;
	s25 =	sld [smem:$0x3FFE];
	[sflag:s24] =	ssyncadd.s32 $0xFFFFFFFF  }
0x1d: {  	s27 =	simm.s32 $execute0_lowered;
	[smem:$0x3FD2] =	sst s26  }
0x1e: {  	s5 =	sshll.u32 s27, $0x1;
	_ =	strace $0x80000049;
	[dreg:$0x1] =	wrdreg $0xFFFFFFFF  }
0x1f: {  	s28 =	simm.s32 $_size_execute0_lowered;
	s3 =	sadd.s32 s3, s5;
	[dreg:$0x0] =	wrdreg $0x0  }
0x20: {  	s5 =	sshll.u32 s28, $0x1;
	[dreg:$0x2] =	wrdreg s3  }
0x21: {  	[dreg:$0x3] =	wrdreg s5  }
0x22: {  	[dreg:$0x4] =	wrdreg $0xC0  }
0x23: {  	_ =	task [dreg:s7], $0x5FFFF  }
0x24: {  	[dreg:$0x1] =	wrdreg $0xFFFFFFFF  }
0x25: {  	[dreg:$0x0] =	wrdreg $0x60  }
0x26: {  	[dreg:$0x2] =	wrdreg s25  }
0x27: {  	[dreg:$0x3] =	wrdreg s2  }
0x28: {  	[dreg:$0x4] =	wrdreg $0x9  }
0x29: {  	_ =	task.clear_ibuf [dreg:s7], $0x5FFFF;
	_ =	strace $0x90000049  }
0x2a: {  	s29 =	simm.s32 $0x9;
	_ =	strace $0x8000004B  }
0x2b: {  	_ =	swait.ge [sflag:s29], $0x1  }
0x2c: {  	[sflag:s29] =	ssyncadd.s32 $0xFFFFFFFF  }
0x2d: {  	_ =	strace $0x9000004B  }
0x2e: {  	_ =	sfence  }
0x2f: {  	s30 =	sld [smem:$0x0];
	_ =	sdelay $0x2  }
0x30: {  	s31 =	sshll.u32 s1, $0xD;
	s1 =	sshrl.u32 s1, $0x2  }
0x31: {  	s3 =	sand.u32 $0x4000, s31;
	s1 =	sadd.s32 s1, s30  }
0x32: {  	s0 =	sor.u32 s3, s0;
	s1 =	sshll.u32 s1, $0x11  }
0x33: {  	s0 =	sor.u32 s1, s0  }
0x34: {  	s0 =	sadd.s32 $0x8F2B, s0  }
0x35: {  	[sflag:s0] =	ssyncadd.remote.s32 $0x1  }
0x36: {  	_ =	sfence.sel $0xFFFF  }
0x37: {  	[dreg:$0x0] =	wrdreg $0xFFFFFFFF;
	(pc) =	sbr.abs _section_cstart, $3  }
0x38: {  	[dreg:$0x1] =	wrdreg $0xFFFFFFFF  }
0x39: {  	_ =	task.clear_ibuf [dreg:s7], $0x2FFFF;
	_ =	strace $0x9FFFFFFF  }
0x3a: {  	(tm) =	ssettm $0x7FFFFFFF  }
0x3b: {  	_ =	shalt  }
tec
execute0_lowered:
.L_overlay_start_1:
0x0: {  	(tag) =	ssettag $0x1  }
0x1: {  	s0 =	srdreg.scid  }
0x2: {  	s7 =	rddreg [dreg:$0x0];
	s1 =	sshll.u32 s0, $0x4  }
0x3: {  	s3 =	rddreg [dreg:$0x1];
	s0 =	stileid.u32;
	s1 =	sand.u32 $0x10, s1  }
0x4: {  	s6 =	simm.s32 $0x1;
	s31 =	simm.s32 $0x2;
	s1 =	sor.u32 s0, s1  }
0x5: {  	s13 =	simm.s32 $0x0;
	s9 =	simm.s32 $0x2000;
	s2 =	sshll.u32 s1, $0x1  }
0x6: {  	s14 =	simm.s32 $0x0;
	s10 =	simm.s32 $0x0;
	s4 =	ssub.s32 $0x400, s2  }
0x7: {  	s12 =	simm.s32 $0x0;
	s1 =	rddreg [dreg:$0x2];
	s5 =	sand.u32 $0x3E, s4  }
.Ltmp0:
0x8: {  	_ =	strace $0x8000004A;
	p0 =	sne.s32 s5, $0x0;
	(pc) =	sbr.rel .LBB1_1-.Ltmp0, $4  }
0x9: {  	s11 =	smov.u32 s2;
	s8 =	sshrl.u32 s4, $0x6;
	s6 =	simm.s32 @!p0 $0x0  }
0xa: {  	s4 =	sadd.s32 $0xA00, s7;
	s5 =	simm.s32 $0x1;
	s6 =	sadd.s32 s6, s8  }
0xb: {  	s7 =	sadd.s32 $0x4A00, s7;
	[sflag:s5] =	ssyncpa.u1 $0x0;
	s6 =	sshll.u32 s6, $0x3  }
0xc: {  	p0 =	por $0x0, $0x0;
	[sflag:s31] =	ssyncpa.u1 $0x0;
	s8 =	sor.u32 $0x1, s6  }
.LBB1_7:
0xd: {  	s15 =	sadd.s32 $0x80, s10  }
0xe: {  	s13 =	sadd.s32 $0x40, s11;
	s17 =	smov.u32 s11;
	p2 =	sgt.s32 s15, $0x3FF  }
0xf: {  	s17 =	smov.u32 @p2 s13  }
0x10: {  	s15 =	simm.s32 @p2 $0x0;
	p2 =	sgt.s32 s17, $0x3FF  }
0x11: {  	s17 =	smov.u32 @p2 s2;
	p2 =	sne.s32 s12, s8  }
.Ltmp1:
0x12: {  	p1 =	slt.u32 s12, $0x2;
	(pc) =	sbr.rel @!p2 .LBB1_8-.Ltmp1, $4  }
0x13: {  	s16 =	simm.s32 @!p1 $0x2  }
0x14: {  	s14 =	smov.u32 s11;
	p0 =	por !p0, !p0;
	_ =	swait.ge @!p1 [sflag:s16], $0x4000  }
0x15: {  	s13 =	smov.u32 s10;
	[sflag:s16] =	ssyncset.done @!p1 $0x0;
	s10 =	smov.u32 s15  }
0x16: {  	s12 =	sadd.s32 $0x1, s12;
	[sflag:s16] =	ssyncadd.s32 @!p1 $0xFFFFC000;
	s11 =	smov.u32 s17  }
.LBB1_1:
0x17: {  	p1 =	sge.u32 s12, s6  }
0x18: {  	s15 =	sxor.u32 @!p1 $0xFFFFFFFF, s12;
	s16 =	sshll.u32 @!p1 s11, $0xE  }
0x19: {  	s17 =	sshll.u32 @!p1 s10, $0x4;
	s19 =	simm.s32 @!p1 $0x40;
	s20 =	simm.s32 @!p1 $0x80  }
0x1a: {  	s15 =	sshll.u32 @!p1 s15, $0xE;
	s17 =	sand.u32 @!p1 $0x3FF0, s17;
	s18 =	sadd.s32 @!p1 s4, s16  }
0x1b: {  	s16 =	sadd.s32 @!p1 s16, s7;
	s15 =	sand.u32 @!p1 $0x4000, s15;
	s18 =	sadd.s32 @!p1 s17, s18  }
0x1c: {  	[tilespmem:s15], [sflag:$0x1] =	stream.strided.gather @!p1 [hbm4b:s18+s19], $0x2000, s20, s19, $0x38;
	[tilespmem:$0x10100] =	vst v63  }
0x1d: {  	s31 =	sadd.s32 $0xFFFFFFFF, s12;
	s16 =	sadd.s32 @!p1 s17, s16;
	s15 =	sor.u32 @!p1 $0x2000, s15  }
0x1e: {  	[tilespmem:s15], [sflag:$0x1] =	stream.strided.gather @!p1 [hbm4b:s16+s19], $0x2000, s20, s19, $0x38;
	[tilespmem:$0x10100] =	vst v63  }
0x1f: {  	p1 =	sge.u32 s31, s6  }
.Ltmp2:
0x20: {  	_ = 	snop;
	(pc) =	sbr.rel @p1 .LBB1_7-.Ltmp2, $1  }
0x21: {  	_ =	sdelay $0x3  }
0x22: {  	s15 =	simm.s32 $0x1;
	s17 =	sand.u32 $0x1, s12  }
0x23: {  	_ =	swait.ge [sflag:s5], $0x4000;
	s15 =	simm.s32 @!p0 $0x0;
	s17 =	smul.u32 $0x10200, s17  }
0x24: {  	p2 =	por $0x1, $0x1;
	[sflag:s5] =	ssyncset.done $0x0;
	s16 =	smul.u32 $0x10200, s15  }
0x25: {  	s18 =	sshll.u32 s15, $0x10;
	[sflag:s5] =	ssyncadd.s32 $0xFFFFC000;
	s30 =	sshrl.u32 s17, $0x2  }
0x26: {  	s31 =	sshrl.u32 s18, $0x2;
	s18 =	simm.s32 $0x0;
	s16 =	sshrl.u32 s16, $0x2  }
0x27: {  	s15 =	sor.u32 $0x8000, s30;
	s17 =	sadd.s32 $0x20, s31;
	s16 =	sor.u32 $0x8000, s16  }
.LBB1_3:
0x28: {  	s19 =	sshll.u32 s18, $0xD  }
0x29: {  	s19 =	sand.u32 $0x3FFFE000, s19  }
0x2a: {  	s21 =	sadd.s32 s19, s17  }
0x2b: {  	s31 =	smul.u32 $0x8100, s18;
	v3 =	vld [tilespmem:s21+$0x10]  }
0x2c: {  	v1 =	vld [tilespmem:s21+$0xFFFFFFF0]  }
0x2d: {  	s18 =	sshra.s32 s31, $0x2;
	v0 =	vld [tilespmem:s21+$0x0]  }
0x2e: {  	s18 =	sadd.s32 s18, s16;
	v2 =	vld [tilespmem:s21+$0xFFFFFFE0]  }
0x2f: {  	s19 =	sadd.s32 $0x0, s18  }
0x30: {  	p1 =	por p2, p2;
	s20 =	simm.s32 $0x4;
	s21 =	sadd.s32 $0x40, s21;
	[tilespmem:s19+$0x1830 ss:$0x81] =	vst.msk $0xffff, v3  }
.LBB1_4:
0x31: {  	v3 =	vld [tilespmem:s21+$0x10];
	p2 =	sne.s32 s20, $0x1FC;
	[tilespmem:s19+$0x810 ss:$0x81] =	vst.msk $0xffff, v1;
	s22 =	smov.u32 s20;
	s20 =	sadd.s32 $0x4, s20  }
.Ltmp3:
0x32: {  	v1 =	vld [tilespmem:s21+$0xFFFFFFF0];
	[tilespmem:s19+$0x1020 ss:$0x81] =	vst.msk $0xffff, v0;
	(pc) =	sbr.rel @p2 .LBB1_4-.Ltmp3, $4  }
0x33: {  	v0 =	vld [tilespmem:s21+$0x0];
	[tilespmem:s19+$0x0 ss:$0x81] =	vst.msk $0xffff, v2  }
0x34: {  	s19 =	sshra.s32 s22, $0x2;
	v2 =	vld [tilespmem:s21+$0xFFFFFFE0]  }
0x35: {  	s19 =	sadd.s32 s19, s18  }
0x36: {  	s21 =	sadd.s32 $0x40, s21;
	[tilespmem:s19+$0x1830 ss:$0x81] =	vst.msk $0xffff, v3  }
.Ltmp4:
0x37: {  	(pc) =	sbr.rel @p1 .LBB1_3-.Ltmp4, $4  }
0x38: {  	_ = 	snop  }
0x39: {  	[tilespmem:s19+$0x810 ss:$0x81] =	vst.msk $0xffff, v1  }
0x3a: {  	[tilespmem:s19+$0x1020 ss:$0x81] =	vst.msk $0xffff, v0  }
0x3b: {  	s18 =	simm.s32 $0x1;
	p2 =	por $0x0, $0x0;
	[tilespmem:s19+$0x0 ss:$0x81] =	vst.msk $0xffff, v2  }
.Ltmp5:
0x3c: {  	s16 =	sand.u32 $0x1F80, s13;
	s14 =	sshll.u32 s14, $0xD;
	(pc) =	sbr.rel .LBB1_7-.Ltmp5, $4  }
0x3d: {  	s17 =	sshrl.u32 s13, $0x3;
	s31 =	sand.u32 $0x7, s13;
	s14 =	sadd.s32 s3, s14  }
0x3e: {  	s17 =	sand.u32 $0xF, s17;
	s13 =	sshll.u32 s31, $0x12;
	s14 =	sadd.s32 s16, s14  }
0x3f: {  	s13 =	sor.u32 $0x400, s13;
	s14 =	sadd.s32 s17, s14  }
0x40: {  	[hbm4b:s14+s13] =	stream.strided.scatter [tilespmem:s15], [sflag:$0x2], $0x4000, s9, s13, $0x20;
	[tilespmem:$0x10100] =	vst v63  }
.LBB1_8:
0x41: {  	_ =	sfence.sel $0x180000  }
0x42: {  	s2 =	simm.s32 $0x1;
	[bflag:$0x0] =	sbarrier.arrive $0xFFFF  }
0x43: {  	s31 =	simm.s32 $0x2;
	[sflag:s2] =	ssyncpa.u1 $0x1  }
0x44: {  	[sflag:s31] =	ssyncpa.u1 $0x1  }
0x45: {  	p0 =	sne.s32 s0, $0x0;
	_ =	strace $0x9000004A  }
0x46: {  	s0 =	sadd.s32 @!p0 $0x100000, s1;
	[bflag:$0x2] =	sbarrier.arrive $0xFFFF  }
0x47: {  	[sflag:s0] =	ssyncadd.tile.s32 @!p0 $0x1;
	_ =	shalt  }
.Lfunc_end1:
_tile_overlayer_lowered:
.L_overlay_start_2:
0x48: {  	(tag) =	ssettag $0x2  }
0x49: {  	s0 =	rddreg [dreg:$0x0];
	s2 =	stileid.u32  }
0x4a: {  	s1 =	rddreg [dreg:$0x1];
	p0 =	sne.s32 s2, $0x0  }
0x4b: {  	s3 =	rddreg [dreg:$0x2];
	[bflag:$0x3] =	sbarrier.arrive $0xFFFF;
	s2 =	simm.s32 @!p0 $0x1C01  }
0x4c: {  	[timem:s3], [sflag:s2] =	dma.local @!p0 [hbm:s0], s1  }
0x4d: {  	s0 =	simm.s32 @!p0 $0x1  }
0x4e: {  	_ =	swait.ge @!p0 [sflag:s0], s1  }
0x4f: {  	s1 =	ssub.s32 @!p0 $0x0, s1;
	[sflag:s0] =	ssyncset.done @!p0 $0x0  }
0x50: {  	[sflag:s0] =	ssyncadd.s32 @!p0 s1  }
0x51: {  	[bflag:$0x3] =	sbarrier.arrive $0xFFFF  }
0x52: {  	_ =	shalt  }

</sc_bundles>
